<compile_context>
chip_gen: v7x
topology: tpu7x:2x2x1
jax: 0.10.2.dev20260603
libtpu: 0.0.44.dev20260713+nightly
codegen_flags: <defaults>
</compile_context>

<pallas_src>
import functools

import jax
import jax.numpy as jnp
from jax import lax
from jax.experimental import pallas as pl
from jax.experimental.pallas import tpu as pltpu
from jax.experimental.pallas import tpu_sc as plsc

jax.config.update("jax_enable_x64", True)

_DENSE_L = 20
_NUM_P = 4
_L_TILDE = 4
_ROWS = 16384
_COLS = _NUM_P * _DENSE_L
_OUT_COLS = _NUM_P * _L_TILDE
_WPR = 2 * _OUT_COLS


def _sc_gather_call(x, idx):
    info = plsc.get_sparse_core_info()
    num_workers = info.num_cores * info.num_subcores
    rows_per_w = _ROWS // num_workers
    mesh = plsc.VectorSubcoreMesh(core_axis_name="c", subcore_axis_name="s")

    n_chunks = 4
    chunk = rows_per_w // n_chunks

    @functools.partial(
        pl.kernel,
        out_type=jax.ShapeDtypeStruct((_ROWS, _WPR), jnp.int32),
        mesh=mesh,
        scratch_types=[
            pltpu.VMEM((chunk, _COLS), jnp.float32),
            pltpu.VMEM((chunk, _COLS), jnp.float32),
            pltpu.VMEM((chunk, _WPR), jnp.int32),
            pltpu.VMEM((chunk, _WPR), jnp.int32),
            pltpu.VMEM((_OUT_COLS,), jnp.int32),
            pltpu.SemaphoreType.DMA,
            pltpu.SemaphoreType.DMA,
            pltpu.SemaphoreType.DMA,
            pltpu.SemaphoreType.DMA,
        ],
        compiler_params=pltpu.CompilerParams(
            needs_layout_passes=False, skip_device_barrier=True),
    )
    def sc_gather(x_hbm, idx_hbm, out_hbm, x_v0, x_v1, out_v0, out_v1,
                  idx_v, in_sem0, in_sem1, out_sem0, out_sem1):
        wid = lax.axis_index("s") * info.num_cores + lax.axis_index("c")
        base = wid * rows_per_w
        pltpu.sync_copy(idx_hbm, idx_v)
        col_idx = idx_v[...]
        lane = lax.iota(jnp.int32, 16)
        even = lane * jnp.int32(2)
        odd = even + jnp.int32(1)
        x_bufs = (x_v0, x_v1)
        out_bufs = (out_v0, out_v1)
        in_sems = (in_sem0, in_sem1)
        out_sems = (out_sem0, out_sem1)

        def start_in(c):
            return pltpu.async_copy(
                x_hbm.at[pl.ds(base + c * chunk, chunk)], x_bufs[c % 2], in_sems[c % 2])

        def compute(c):
            x_v = x_bufs[c % 2]
            out_v = out_bufs[c % 2]

            @plsc.parallel_loop(jnp.int32(0), jnp.int32(chunk), step=jnp.int32(1), unroll=16)
            def body(r):
                row_idx = jnp.full((16,), r, dtype=jnp.int32)
                row = plsc.load_gather(x_v, [row_idx, col_idx])
                b = plsc.bitcast(row, jnp.int32)
                sign = b & jnp.int32(-0x80000000)
                e = lax.shift_right_logical(b, jnp.int32(23)) & jnp.int32(0xFF)
                m = b & jnp.int32(0x7FFFFF)
                hi = (sign | lax.shift_left(e + jnp.int32(896), jnp.int32(20))
                      | lax.shift_right_logical(m, jnp.int32(3)))
                lo = lax.shift_left(m, jnp.int32(29))
                plsc.store_scatter(out_v, [row_idx, even], lo)
                plsc.store_scatter(out_v, [row_idx, odd], hi)

        in_flight = {0: start_in(0)}
        out_flight = {}
        for c in range(n_chunks):
            if c + 1 < n_chunks:
                in_flight[c + 1] = start_in(c + 1)
            in_flight.pop(c).wait()
            if c - 2 in out_flight:
                out_flight.pop(c - 2).wait()
            compute(c)
            out_flight[c] = pltpu.async_copy(
                out_bufs[c % 2],
                out_hbm.at[pl.ds(base + c * chunk, chunk)],
                out_sems[c % 2])
        for c in sorted(out_flight):
            out_flight.pop(c).wait()

    return sc_gather(x, idx)


def kernel(x, weight_raw):
    w = jnp.clip(jnp.round(weight_raw), 1, _DENSE_L).astype(jnp.int32)
    ii = jnp.arange(_NUM_P, dtype=jnp.int32)
    idx = (ii[:, None] * _DENSE_L + w[None, :_L_TILDE]).reshape(-1)
    packed = _sc_gather_call(x, idx)
    pairs = packed.reshape(_ROWS, _OUT_COLS, 2)
    return lax.bitcast_convert_type(pairs, jnp.float64)

# --- scband reference (transcript-rebuilt; emitter-appended) ---
"""Pipeline reference for scband-hard-sampling-layer-6760278523946 (READ-ONLY COPY).

The authoritative reference and input builder live on the scoring server;
editing this copy changes nothing except your own understanding.
"""

import jax
jax.config.update('jax_enable_x64', True)
import jax.numpy as jnp
import numpy as np

dense_sampling_L = 20
num_of_adc_p = 4
num_samples_L_tilde = 4


def setup_inputs(seed: int = 0) -> dict:
    key = jax.random.key(seed)
    kx, _ = jax.random.split(key)
    x = jax.random.normal(kx, (16384, num_of_adc_p * dense_sampling_L), dtype=jnp.float32)
    # learned/init parameter: raw weight passed to the constructor
    weight_raw = jnp.array([2.0, 5.0, 11.0, 17.0], dtype=jnp.float32)
    return {"x": x, "weight_raw": weight_raw}


def reference(x, weight_raw):
    # constructor logic: round, clamp to [1, dense_sampling_L], cast to int
    w = jnp.round(weight_raw)
    w = jnp.clip(w, 1, dense_sampling_L).astype(jnp.int32)
    # forward: out[:, i*L_tilde + j] = x[:, i*L + w[j]]
    ii = jnp.arange(num_of_adc_p, dtype=jnp.int32)
    idx = (ii[:, None] * dense_sampling_L + w[None, :num_samples_L_tilde]).reshape(-1)
    out = jnp.take(x, idx, axis=1).astype(jnp.float64)
    return out

if __name__ == "__main__":
    import jax
    _d = setup_inputs()
    print(jax.jit(kernel)(*tuple(_d.values())))

</pallas_src>

<mosaic_0001>
#map = affine_map<(d0, d1) -> (0, 0)>
#map1 = affine_map<(d0, d1) -> (0)>
module attributes {stable_mosaic.version = 14 : i64} {
  func.func @sc_gather(%arg0: i32, %arg1: i32, %arg2: memref<16384x80xf32, #tpu.memory_space<hbm>>, %arg3: memref<16xi32, #tpu.memory_space<hbm>>, %arg4: memref<16384x32xi32, #tpu.memory_space<hbm>>, %arg5: memref<128x80xf32, #tpu.memory_space<vmem>>, %arg6: memref<128x80xf32, #tpu.memory_space<vmem>>, %arg7: memref<128x32xi32, #tpu.memory_space<vmem>>, %arg8: memref<128x32xi32, #tpu.memory_space<vmem>>, %arg9: memref<16xi32, #tpu.memory_space<vmem>>, %arg10: memref<!tpu.dma_semaphore, #tpu.memory_space<semaphore_mem>>, %arg11: memref<!tpu.dma_semaphore, #tpu.memory_space<semaphore_mem>>, %arg12: memref<!tpu.dma_semaphore, #tpu.memory_space<semaphore_mem>>, %arg13: memref<!tpu.dma_semaphore, #tpu.memory_space<semaphore_mem>>) attributes {dimension_semantics = [#tpu.dimension_semantics<core_parallel>, #tpu.dimension_semantics<subcore_parallel>], iteration_bounds = array<i64: 2, 16>, scalar_prefetch = 0 : i64, scratch_operands = 9 : i64, tpu.core_type = #tpu.core_type<sc_vector_subcore>, window_params = [{transform_indices = #map}, {transform_indices = #map1}, {transform_indices = #map}]} {
    %mul3A = arith.constant 2 : i32
    %mul3A_0 = arith.muli %arg1, %mul3A : i32
    %add3A = arith.addi %mul3A_0, %arg0 : i32
    %mul3A_1 = arith.constant 512 : i32
    %mul3A_2 = arith.muli %add3A, %mul3A_1 : i32
    "tpu.region"() ({
      %run_scoped3A = tpu.sem_alloc : memref<!tpu.dma_semaphore, #tpu.memory_space<semaphore_mem>>
      tpu.enqueue_dma source(%arg3 : memref<16xi32, #tpu.memory_space<hbm>>) target(%arg9 : memref<16xi32, #tpu.memory_space<vmem>>) target_semaphore(%run_scoped3A : memref<!tpu.dma_semaphore, #tpu.memory_space<semaphore_mem>>)
      tpu.wait_dma2 semaphore(%run_scoped3A : memref<!tpu.dma_semaphore, #tpu.memory_space<semaphore_mem>>) src(%arg3 : memref<16xi32, #tpu.memory_space<hbm>>) dst(%arg9 : memref<16xi32, #tpu.memory_space<vmem>>)
      tpu.yield
    }) : () -> ()
    %get3A = arith.constant 0 : index
    %get3A_3 = tpu.vector_load %arg9[%get3A] {strides = array<i32>} : memref<16xi32, #tpu.memory_space<vmem>>, vector<16xi32>,
    %iota3A = tpu.iota {dimensions = array<i32: 0>} : vector<16xi32>
    %mul3A_4 = arith.constant 2 : i32
    %mul3A_5 = vector.broadcast %mul3A_4 : i32 to vector<16xi32>
    %mul3A_6 = arith.muli %iota3A, %mul3A_5 : vector<16xi32>
    %add3A_7 = arith.constant 1 : i32
    %add3A_8 = vector.broadcast %add3A_7 : i32 to vector<16xi32>
    %add3A_9 = arith.addi %mul3A_6, %add3A_8 : vector<16xi32>
    %add3A_10 = arith.constant 0 : i32
    %add3A_11 = arith.addi %mul3A_2, %add3A_10 : i32
    %dma_start3A = arith.constant 0 : i32
    %dma_start3A_12 = tpu.memref_slice %arg2[%add3A_11, %dma_start3A] : memref<16384x80xf32, #tpu.memory_space<hbm>> -> memref<128x80xf32, #tpu.memory_space<hbm>>
    %dma_start3A_13 = arith.constant 0 : i32
    %dma_start3A_14 = tpu.memref_slice %arg2[%add3A_11, %dma_start3A_13] : memref<16384x80xf32, #tpu.memory_space<hbm>> -> memref<128x80xf32, #tpu.memory_space<hbm>>
    tpu.enqueue_dma source(%dma_start3A_14 : memref<128x80xf32, #tpu.memory_space<hbm>>) target(%arg5 : memref<128x80xf32, #tpu.memory_space<vmem>>) target_semaphore(%arg10 : memref<!tpu.dma_semaphore, #tpu.memory_space<semaphore_mem>>)
    %add3A_15 = arith.constant 128 : i32
    %add3A_16 = arith.addi %mul3A_2, %add3A_15 : i32
    %dma_start3A_17 = arith.constant 0 : i32
    %dma_start3A_18 = tpu.memref_slice %arg2[%add3A_16, %dma_start3A_17] : memref<16384x80xf32, #tpu.memory_space<hbm>> -> memref<128x80xf32, #tpu.memory_space<hbm>>
    %dma_start3A_19 = arith.constant 0 : i32
    %dma_start3A_20 = tpu.memref_slice %arg2[%add3A_16, %dma_start3A_19] : memref<16384x80xf32, #tpu.memory_space<hbm>> -> memref<128x80xf32, #tpu.memory_space<hbm>>
    tpu.enqueue_dma source(%dma_start3A_20 : memref<128x80xf32, #tpu.memory_space<hbm>>) target(%arg6 : memref<128x80xf32, #tpu.memory_space<vmem>>) target_semaphore(%arg11 : memref<!tpu.dma_semaphore, #tpu.memory_space<semaphore_mem>>)
    %dma_wait3A = arith.constant 0 : i32
    %dma_wait3A_21 = tpu.memref_slice %arg2[%add3A_11, %dma_wait3A] : memref<16384x80xf32, #tpu.memory_space<hbm>> -> memref<128x80xf32, #tpu.memory_space<hbm>>
    %dma_wait3A_22 = arith.constant 0 : i32
    %dma_wait3A_23 = tpu.memref_slice %arg2[%add3A_11, %dma_wait3A_22] : memref<16384x80xf32, #tpu.memory_space<hbm>> -> memref<128x80xf32, #tpu.memory_space<hbm>>
    tpu.wait_dma2 semaphore(%arg10 : memref<!tpu.dma_semaphore, #tpu.memory_space<semaphore_mem>>) src(%dma_wait3A_23 : memref<128x80xf32, #tpu.memory_space<hbm>>) dst(%arg5 : memref<128x80xf32, #tpu.memory_space<vmem>>)
    %parallel_loop3A = arith.constant 0 : i32
    %parallel_loop3A_24 = arith.constant 128 : i32
    %parallel_loop3A_25 = arith.constant 1 : i32
    scf.for %parallel_loop3A_99 = %parallel_loop3A to %parallel_loop3A_24 step %parallel_loop3A_25  : i32 {
      %parallel_loop3A_100 = vector.broadcast %parallel_loop3A_99 : i32 to vector<16xi32>
      %parallel_loop3A_101 = tpu.vector_load_idx %arg5[%parallel_loop3A_100, %get3A_3] : memref<128x80xf32, #tpu.memory_space<vmem>>[vector<16xi32>, vector<16xi32>], vector<16xf32>,
      %parallel_loop3A_102 = vector.bitcast %parallel_loop3A_101 : vector<16xf32> to vector<16xi32>
      %parallel_loop3A_103 = arith.constant -2147483648 : i32
      %parallel_loop3A_104 = vector.broadcast %parallel_loop3A_103 : i32 to vector<16xi32>
      %parallel_loop3A_105 = arith.andi %parallel_loop3A_102, %parallel_loop3A_104 : vector<16xi32>
      %parallel_loop3A_106 = arith.constant 23 : i32
      %parallel_loop3A_107 = vector.broadcast %parallel_loop3A_106 : i32 to vector<16xi32>
      %parallel_loop3A_108 = arith.shrui %parallel_loop3A_102, %parallel_loop3A_107 : vector<16xi32>
      %parallel_loop3A_109 = arith.constant 255 : i32
      %parallel_loop3A_110 = vector.broadcast %parallel_loop3A_109 : i32 to vector<16xi32>
      %parallel_loop3A_111 = arith.andi %parallel_loop3A_108, %parallel_loop3A_110 : vector<16xi32>
      %parallel_loop3A_112 = arith.constant 8388607 : i32
      %parallel_loop3A_113 = vector.broadcast %parallel_loop3A_112 : i32 to vector<16xi32>
      %parallel_loop3A_114 = arith.andi %parallel_loop3A_102, %parallel_loop3A_113 : vector<16xi32>
      %parallel_loop3A_115 = arith.constant 896 : i32
      %parallel_loop3A_116 = vector.broadcast %parallel_loop3A_115 : i32 to vector<16xi32>
      %parallel_loop3A_117 = arith.addi %parallel_loop3A_111, %parallel_loop3A_116 : vector<16xi32>
      %parallel_loop3A_118 = arith.constant 20 : i32
      %parallel_loop3A_119 = vector.broadcast %parallel_loop3A_118 : i32 to vector<16xi32>
      %parallel_loop3A_120 = arith.shli %parallel_loop3A_117, %parallel_loop3A_119 : vector<16xi32>
      %parallel_loop3A_121 = arith.ori %parallel_loop3A_105, %parallel_loop3A_120 : vector<16xi32>
      %parallel_loop3A_122 = arith.constant 3 : i32
      %parallel_loop3A_123 = vector.broadcast %parallel_loop3A_122 : i32 to vector<16xi32>
      %parallel_loop3A_124 = arith.shrui %parallel_loop3A_114, %parallel_loop3A_123 : vector<16xi32>
      %parallel_loop3A_125 = arith.ori %parallel_loop3A_121, %parallel_loop3A_124 : vector<16xi32>
      %parallel_loop3A_126 = arith.constant 29 : i32
      %parallel_loop3A_127 = vector.broadcast %parallel_loop3A_126 : i32 to vector<16xi32>
      %parallel_loop3A_128 = arith.shli %parallel_loop3A_114, %parallel_loop3A_127 : vector<16xi32>
      tpu.vector_store_idx %arg7[%parallel_loop3A_100, %mul3A_6], %parallel_loop3A_128 : memref<128x32xi32, #tpu.memory_space<vmem>>[vector<16xi32>, vector<16xi32>], vector<16xi32>,
      tpu.vector_store_idx %arg7[%parallel_loop3A_100, %add3A_9], %parallel_loop3A_125 : memref<128x32xi32, #tpu.memory_space<vmem>>[vector<16xi32>, vector<16xi32>], vector<16xi32>,
    } {sc.loop_unroll_factor = 16 : i64, sc.parallel_access}
    %add3A_26 = arith.constant 0 : i32
    %add3A_27 = arith.addi %mul3A_2, %add3A_26 : i32
    %dma_start3A_28 = arith.constant 0 : i32
    %dma_start3A_29 = tpu.memref_slice %arg4[%add3A_27, %dma_start3A_28] : memref<16384x32xi32, #tpu.memory_space<hbm>> -> memref<128x32xi32, #tpu.memory_space<hbm>>
    %dma_start3A_30 = arith.constant 0 : i32
    %dma_start3A_31 = tpu.memref_slice %arg4[%add3A_27, %dma_start3A_30] : memref<16384x32xi32, #tpu.memory_space<hbm>> -> memref<128x32xi32, #tpu.memory_space<hbm>>
    tpu.enqueue_dma source(%arg7 : memref<128x32xi32, #tpu.memory_space<vmem>>) target(%dma_start3A_31 : memref<128x32xi32, #tpu.memory_space<hbm>>) target_semaphore(%arg12 : memref<!tpu.dma_semaphore, #tpu.memory_space<semaphore_mem>>)
    %add3A_32 = arith.constant 256 : i32
    %add3A_33 = arith.addi %mul3A_2, %add3A_32 : i32
    %dma_start3A_34 = arith.constant 0 : i32
    %dma_start3A_35 = tpu.memref_slice %arg2[%add3A_33, %dma_start3A_34] : memref<16384x80xf32, #tpu.memory_space<hbm>> -> memref<128x80xf32, #tpu.memory_space<hbm>>
    %dma_start3A_36 = arith.constant 0 : i32
    %dma_start3A_37 = tpu.memref_slice %arg2[%add3A_33, %dma_start3A_36] : memref<16384x80xf32, #tpu.memory_space<hbm>> -> memref<128x80xf32, #tpu.memory_space<hbm>>
    tpu.enqueue_dma source(%dma_start3A_37 : memref<128x80xf32, #tpu.memory_space<hbm>>) target(%arg5 : memref<128x80xf32, #tpu.memory_space<vmem>>) target_semaphore(%arg10 : memref<!tpu.dma_semaphore, #tpu.memory_space<semaphore_mem>>)
    %dma_wait3A_38 = arith.constant 0 : i32
    %dma_wait3A_39 = tpu.memref_slice %arg2[%add3A_16, %dma_wait3A_38] : memref<16384x80xf32, #tpu.memory_space<hbm>> -> memref<128x80xf32, #tpu.memory_space<hbm>>
    %dma_wait3A_40 = arith.constant 0 : i32
    %dma_wait3A_41 = tpu.memref_slice %arg2[%add3A_16, %dma_wait3A_40] : memref<16384x80xf32, #tpu.memory_space<hbm>> -> memref<128x80xf32, #tpu.memory_space<hbm>>
    tpu.wait_dma2 semaphore(%arg11 : memref<!tpu.dma_semaphore, #tpu.memory_space<semaphore_mem>>) src(%dma_wait3A_41 : memref<128x80xf32, #tpu.memory_space<hbm>>) dst(%arg6 : memref<128x80xf32, #tpu.memory_space<vmem>>)
    %parallel_loop3A_42 = arith.constant 0 : i32
    %parallel_loop3A_43 = arith.constant 128 : i32
    %parallel_loop3A_44 = arith.constant 1 : i32
    scf.for %parallel_loop3A_99 = %parallel_loop3A_42 to %parallel_loop3A_43 step %parallel_loop3A_44  : i32 {
      %parallel_loop3A_100 = vector.broadcast %parallel_loop3A_99 : i32 to vector<16xi32>
      %parallel_loop3A_101 = tpu.vector_load_idx %arg6[%parallel_loop3A_100, %get3A_3] : memref<128x80xf32, #tpu.memory_space<vmem>>[vector<16xi32>, vector<16xi32>], vector<16xf32>,
      %parallel_loop3A_102 = vector.bitcast %parallel_loop3A_101 : vector<16xf32> to vector<16xi32>
      %parallel_loop3A_103 = arith.constant -2147483648 : i32
      %parallel_loop3A_104 = vector.broadcast %parallel_loop3A_103 : i32 to vector<16xi32>
      %parallel_loop3A_105 = arith.andi %parallel_loop3A_102, %parallel_loop3A_104 : vector<16xi32>
      %parallel_loop3A_106 = arith.constant 23 : i32
      %parallel_loop3A_107 = vector.broadcast %parallel_loop3A_106 : i32 to vector<16xi32>
      %parallel_loop3A_108 = arith.shrui %parallel_loop3A_102, %parallel_loop3A_107 : vector<16xi32>
      %parallel_loop3A_109 = arith.constant 255 : i32
      %parallel_loop3A_110 = vector.broadcast %parallel_loop3A_109 : i32 to vector<16xi32>
      %parallel_loop3A_111 = arith.andi %parallel_loop3A_108, %parallel_loop3A_110 : vector<16xi32>
      %parallel_loop3A_112 = arith.constant 8388607 : i32
      %parallel_loop3A_113 = vector.broadcast %parallel_loop3A_112 : i32 to vector<16xi32>
      %parallel_loop3A_114 = arith.andi %parallel_loop3A_102, %parallel_loop3A_113 : vector<16xi32>
      %parallel_loop3A_115 = arith.constant 896 : i32
      %parallel_loop3A_116 = vector.broadcast %parallel_loop3A_115 : i32 to vector<16xi32>
      %parallel_loop3A_117 = arith.addi %parallel_loop3A_111, %parallel_loop3A_116 : vector<16xi32>
      %parallel_loop3A_118 = arith.constant 20 : i32
      %parallel_loop3A_119 = vector.broadcast %parallel_loop3A_118 : i32 to vector<16xi32>
      %parallel_loop3A_120 = arith.shli %parallel_loop3A_117, %parallel_loop3A_119 : vector<16xi32>
      %parallel_loop3A_121 = arith.ori %parallel_loop3A_105, %parallel_loop3A_120 : vector<16xi32>
      %parallel_loop3A_122 = arith.constant 3 : i32
      %parallel_loop3A_123 = vector.broadcast %parallel_loop3A_122 : i32 to vector<16xi32>
      %parallel_loop3A_124 = arith.shrui %parallel_loop3A_114, %parallel_loop3A_123 : vector<16xi32>
      %parallel_loop3A_125 = arith.ori %parallel_loop3A_121, %parallel_loop3A_124 : vector<16xi32>
      %parallel_loop3A_126 = arith.constant 29 : i32
      %parallel_loop3A_127 = vector.broadcast %parallel_loop3A_126 : i32 to vector<16xi32>
      %parallel_loop3A_128 = arith.shli %parallel_loop3A_114, %parallel_loop3A_127 : vector<16xi32>
      tpu.vector_store_idx %arg8[%parallel_loop3A_100, %mul3A_6], %parallel_loop3A_128 : memref<128x32xi32, #tpu.memory_space<vmem>>[vector<16xi32>, vector<16xi32>], vector<16xi32>,
      tpu.vector_store_idx %arg8[%parallel_loop3A_100, %add3A_9], %parallel_loop3A_125 : memref<128x32xi32, #tpu.memory_space<vmem>>[vector<16xi32>, vector<16xi32>], vector<16xi32>,
    } {sc.loop_unroll_factor = 16 : i64, sc.parallel_access}
    %add3A_45 = arith.constant 128 : i32
    %add3A_46 = arith.addi %mul3A_2, %add3A_45 : i32
    %dma_start3A_47 = arith.constant 0 : i32
    %dma_start3A_48 = tpu.memref_slice %arg4[%add3A_46, %dma_start3A_47] : memref<16384x32xi32, #tpu.memory_space<hbm>> -> memref<128x32xi32, #tpu.memory_space<hbm>>
    %dma_start3A_49 = arith.constant 0 : i32
    %dma_start3A_50 = tpu.memref_slice %arg4[%add3A_46, %dma_start3A_49] : memref<16384x32xi32, #tpu.memory_space<hbm>> -> memref<128x32xi32, #tpu.memory_space<hbm>>
    tpu.enqueue_dma source(%arg8 : memref<128x32xi32, #tpu.memory_space<vmem>>) target(%dma_start3A_50 : memref<128x32xi32, #tpu.memory_space<hbm>>) target_semaphore(%arg13 : memref<!tpu.dma_semaphore, #tpu.memory_space<semaphore_mem>>)
    %add3A_51 = arith.constant 384 : i32
    %add3A_52 = arith.addi %mul3A_2, %add3A_51 : i32
    %dma_start3A_53 = arith.constant 0 : i32
    %dma_start3A_54 = tpu.memref_slice %arg2[%add3A_52, %dma_start3A_53] : memref<16384x80xf32, #tpu.memory_space<hbm>> -> memref<128x80xf32, #tpu.memory_space<hbm>>
    %dma_start3A_55 = arith.constant 0 : i32
    %dma_start3A_56 = tpu.memref_slice %arg2[%add3A_52, %dma_start3A_55] : memref<16384x80xf32, #tpu.memory_space<hbm>> -> memref<128x80xf32, #tpu.memory_space<hbm>>
    tpu.enqueue_dma source(%dma_start3A_56 : memref<128x80xf32, #tpu.memory_space<hbm>>) target(%arg6 : memref<128x80xf32, #tpu.memory_space<vmem>>) target_semaphore(%arg11 : memref<!tpu.dma_semaphore, #tpu.memory_space<semaphore_mem>>)
    %dma_wait3A_57 = arith.constant 0 : i32
    %dma_wait3A_58 = tpu.memref_slice %arg2[%add3A_33, %dma_wait3A_57] : memref<16384x80xf32, #tpu.memory_space<hbm>> -> memref<128x80xf32, #tpu.memory_space<hbm>>
    %dma_wait3A_59 = arith.constant 0 : i32
    %dma_wait3A_60 = tpu.memref_slice %arg2[%add3A_33, %dma_wait3A_59] : memref<16384x80xf32, #tpu.memory_space<hbm>> -> memref<128x80xf32, #tpu.memory_space<hbm>>
    tpu.wait_dma2 semaphore(%arg10 : memref<!tpu.dma_semaphore, #tpu.memory_space<semaphore_mem>>) src(%dma_wait3A_60 : memref<128x80xf32, #tpu.memory_space<hbm>>) dst(%arg5 : memref<128x80xf32, #tpu.memory_space<vmem>>)
    %dma_wait3A_61 = arith.constant 0 : i32
    %dma_wait3A_62 = tpu.memref_slice %arg4[%add3A_27, %dma_wait3A_61] : memref<16384x32xi32, #tpu.memory_space<hbm>> -> memref<128x32xi32, #tpu.memory_space<hbm>>
    %dma_wait3A_63 = arith.constant 0 : i32
    %dma_wait3A_64 = tpu.memref_slice %arg4[%add3A_27, %dma_wait3A_63] : memref<16384x32xi32, #tpu.memory_space<hbm>> -> memref<128x32xi32, #tpu.memory_space<hbm>>
    tpu.wait_dma2 semaphore(%arg12 : memref<!tpu.dma_semaphore, #tpu.memory_space<semaphore_mem>>) src(%arg7 : memref<128x32xi32, #tpu.memory_space<vmem>>) dst(%dma_wait3A_64 : memref<128x32xi32, #tpu.memory_space<hbm>>)
    %parallel_loop3A_65 = arith.constant 0 : i32
    %parallel_loop3A_66 = arith.constant 128 : i32
    %parallel_loop3A_67 = arith.constant 1 : i32
    scf.for %parallel_loop3A_99 = %parallel_loop3A_65 to %parallel_loop3A_66 step %parallel_loop3A_67  : i32 {
      %parallel_loop3A_100 = vector.broadcast %parallel_loop3A_99 : i32 to vector<16xi32>
      %parallel_loop3A_101 = tpu.vector_load_idx %arg5[%parallel_loop3A_100, %get3A_3] : memref<128x80xf32, #tpu.memory_space<vmem>>[vector<16xi32>, vector<16xi32>], vector<16xf32>,
      %parallel_loop3A_102 = vector.bitcast %parallel_loop3A_101 : vector<16xf32> to vector<16xi32>
      %parallel_loop3A_103 = arith.constant -2147483648 : i32
      %parallel_loop3A_104 = vector.broadcast %parallel_loop3A_103 : i32 to vector<16xi32>
      %parallel_loop3A_105 = arith.andi %parallel_loop3A_102, %parallel_loop3A_104 : vector<16xi32>
      %parallel_loop3A_106 = arith.constant 23 : i32
      %parallel_loop3A_107 = vector.broadcast %parallel_loop3A_106 : i32 to vector<16xi32>
      %parallel_loop3A_108 = arith.shrui %parallel_loop3A_102, %parallel_loop3A_107 : vector<16xi32>
      %parallel_loop3A_109 = arith.constant 255 : i32
      %parallel_loop3A_110 = vector.broadcast %parallel_loop3A_109 : i32 to vector<16xi32>
      %parallel_loop3A_111 = arith.andi %parallel_loop3A_108, %parallel_loop3A_110 : vector<16xi32>
      %parallel_loop3A_112 = arith.constant 8388607 : i32
      %parallel_loop3A_113 = vector.broadcast %parallel_loop3A_112 : i32 to vector<16xi32>
      %parallel_loop3A_114 = arith.andi %parallel_loop3A_102, %parallel_loop3A_113 : vector<16xi32>
      %parallel_loop3A_115 = arith.constant 896 : i32
      %parallel_loop3A_116 = vector.broadcast %parallel_loop3A_115 : i32 to vector<16xi32>
      %parallel_loop3A_117 = arith.addi %parallel_loop3A_111, %parallel_loop3A_116 : vector<16xi32>
      %parallel_loop3A_118 = arith.constant 20 : i32
      %parallel_loop3A_119 = vector.broadcast %parallel_loop3A_118 : i32 to vector<16xi32>
      %parallel_loop3A_120 = arith.shli %parallel_loop3A_117, %parallel_loop3A_119 : vector<16xi32>
      %parallel_loop3A_121 = arith.ori %parallel_loop3A_105, %parallel_loop3A_120 : vector<16xi32>
      %parallel_loop3A_122 = arith.constant 3 : i32
      %parallel_loop3A_123 = vector.broadcast %parallel_loop3A_122 : i32 to vector<16xi32>
      %parallel_loop3A_124 = arith.shrui %parallel_loop3A_114, %parallel_loop3A_123 : vector<16xi32>
      %parallel_loop3A_125 = arith.ori %parallel_loop3A_121, %parallel_loop3A_124 : vector<16xi32>
      %parallel_loop3A_126 = arith.constant 29 : i32
      %parallel_loop3A_127 = vector.broadcast %parallel_loop3A_126 : i32 to vector<16xi32>
      %parallel_loop3A_128 = arith.shli %parallel_loop3A_114, %parallel_loop3A_127 : vector<16xi32>
      tpu.vector_store_idx %arg7[%parallel_loop3A_100, %mul3A_6], %parallel_loop3A_128 : memref<128x32xi32, #tpu.memory_space<vmem>>[vector<16xi32>, vector<16xi32>], vector<16xi32>,
      tpu.vector_store_idx %arg7[%parallel_loop3A_100, %add3A_9], %parallel_loop3A_125 : memref<128x32xi32, #tpu.memory_space<vmem>>[vector<16xi32>, vector<16xi32>], vector<16xi32>,
    } {sc.loop_unroll_factor = 16 : i64, sc.parallel_access}
    %add3A_68 = arith.constant 256 : i32
    %add3A_69 = arith.addi %mul3A_2, %add3A_68 : i32
    %dma_start3A_70 = arith.constant 0 : i32
    %dma_start3A_71 = tpu.memref_slice %arg4[%add3A_69, %dma_start3A_70] : memref<16384x32xi32, #tpu.memory_space<hbm>> -> memref<128x32xi32, #tpu.memory_space<hbm>>
    %dma_start3A_72 = arith.constant 0 : i32
    %dma_start3A_73 = tpu.memref_slice %arg4[%add3A_69, %dma_start3A_72] : memref<16384x32xi32, #tpu.memory_space<hbm>> -> memref<128x32xi32, #tpu.memory_space<hbm>>
    tpu.enqueue_dma source(%arg7 : memref<128x32xi32, #tpu.memory_space<vmem>>) target(%dma_start3A_73 : memref<128x32xi32, #tpu.memory_space<hbm>>) target_semaphore(%arg12 : memref<!tpu.dma_semaphore, #tpu.memory_space<semaphore_mem>>)
    %dma_wait3A_74 = arith.constant 0 : i32
    %dma_wait3A_75 = tpu.memref_slice %arg2[%add3A_52, %dma_wait3A_74] : memref<16384x80xf32, #tpu.memory_space<hbm>> -> memref<128x80xf32, #tpu.memory_space<hbm>>
    %dma_wait3A_76 = arith.constant 0 : i32
    %dma_wait3A_77 = tpu.memref_slice %arg2[%add3A_52, %dma_wait3A_76] : memref<16384x80xf32, #tpu.memory_space<hbm>> -> memref<128x80xf32, #tpu.memory_space<hbm>>
    tpu.wait_dma2 semaphore(%arg11 : memref<!tpu.dma_semaphore, #tpu.memory_space<semaphore_mem>>) src(%dma_wait3A_77 : memref<128x80xf32, #tpu.memory_space<hbm>>) dst(%arg6 : memref<128x80xf32, #tpu.memory_space<vmem>>)
    %dma_wait3A_78 = arith.constant 0 : i32
    %dma_wait3A_79 = tpu.memref_slice %arg4[%add3A_46, %dma_wait3A_78] : memref<16384x32xi32, #tpu.memory_space<hbm>> -> memref<128x32xi32, #tpu.memory_space<hbm>>
    %dma_wait3A_80 = arith.constant 0 : i32
    %dma_wait3A_81 = tpu.memref_slice %arg4[%add3A_46, %dma_wait3A_80] : memref<16384x32xi32, #tpu.memory_space<hbm>> -> memref<128x32xi32, #tpu.memory_space<hbm>>
    tpu.wait_dma2 semaphore(%arg13 : memref<!tpu.dma_semaphore, #tpu.memory_space<semaphore_mem>>) src(%arg8 : memref<128x32xi32, #tpu.memory_space<vmem>>) dst(%dma_wait3A_81 : memref<128x32xi32, #tpu.memory_space<hbm>>)
    %parallel_loop3A_82 = arith.constant 0 : i32
    %parallel_loop3A_83 = arith.constant 128 : i32
    %parallel_loop3A_84 = arith.constant 1 : i32
    scf.for %parallel_loop3A_99 = %parallel_loop3A_82 to %parallel_loop3A_83 step %parallel_loop3A_84  : i32 {
      %parallel_loop3A_100 = vector.broadcast %parallel_loop3A_99 : i32 to vector<16xi32>
      %parallel_loop3A_101 = tpu.vector_load_idx %arg6[%parallel_loop3A_100, %get3A_3] : memref<128x80xf32, #tpu.memory_space<vmem>>[vector<16xi32>, vector<16xi32>], vector<16xf32>,
      %parallel_loop3A_102 = vector.bitcast %parallel_loop3A_101 : vector<16xf32> to vector<16xi32>
      %parallel_loop3A_103 = arith.constant -2147483648 : i32
      %parallel_loop3A_104 = vector.broadcast %parallel_loop3A_103 : i32 to vector<16xi32>
      %parallel_loop3A_105 = arith.andi %parallel_loop3A_102, %parallel_loop3A_104 : vector<16xi32>
      %parallel_loop3A_106 = arith.constant 23 : i32
      %parallel_loop3A_107 = vector.broadcast %parallel_loop3A_106 : i32 to vector<16xi32>
      %parallel_loop3A_108 = arith.shrui %parallel_loop3A_102, %parallel_loop3A_107 : vector<16xi32>
      %parallel_loop3A_109 = arith.constant 255 : i32
      %parallel_loop3A_110 = vector.broadcast %parallel_loop3A_109 : i32 to vector<16xi32>
      %parallel_loop3A_111 = arith.andi %parallel_loop3A_108, %parallel_loop3A_110 : vector<16xi32>
      %parallel_loop3A_112 = arith.constant 8388607 : i32
      %parallel_loop3A_113 = vector.broadcast %parallel_loop3A_112 : i32 to vector<16xi32>
      %parallel_loop3A_114 = arith.andi %parallel_loop3A_102, %parallel_loop3A_113 : vector<16xi32>
      %parallel_loop3A_115 = arith.constant 896 : i32
      %parallel_loop3A_116 = vector.broadcast %parallel_loop3A_115 : i32 to vector<16xi32>
      %parallel_loop3A_117 = arith.addi %parallel_loop3A_111, %parallel_loop3A_116 : vector<16xi32>
      %parallel_loop3A_118 = arith.constant 20 : i32
      %parallel_loop3A_119 = vector.broadcast %parallel_loop3A_118 : i32 to vector<16xi32>
      %parallel_loop3A_120 = arith.shli %parallel_loop3A_117, %parallel_loop3A_119 : vector<16xi32>
      %parallel_loop3A_121 = arith.ori %parallel_loop3A_105, %parallel_loop3A_120 : vector<16xi32>
      %parallel_loop3A_122 = arith.constant 3 : i32
      %parallel_loop3A_123 = vector.broadcast %parallel_loop3A_122 : i32 to vector<16xi32>
      %parallel_loop3A_124 = arith.shrui %parallel_loop3A_114, %parallel_loop3A_123 : vector<16xi32>
      %parallel_loop3A_125 = arith.ori %parallel_loop3A_121, %parallel_loop3A_124 : vector<16xi32>
      %parallel_loop3A_126 = arith.constant 29 : i32
      %parallel_loop3A_127 = vector.broadcast %parallel_loop3A_126 : i32 to vector<16xi32>
      %parallel_loop3A_128 = arith.shli %parallel_loop3A_114, %parallel_loop3A_127 : vector<16xi32>
      tpu.vector_store_idx %arg8[%parallel_loop3A_100, %mul3A_6], %parallel_loop3A_128 : memref<128x32xi32, #tpu.memory_space<vmem>>[vector<16xi32>, vector<16xi32>], vector<16xi32>,
      tpu.vector_store_idx %arg8[%parallel_loop3A_100, %add3A_9], %parallel_loop3A_125 : memref<128x32xi32, #tpu.memory_space<vmem>>[vector<16xi32>, vector<16xi32>], vector<16xi32>,
    } {sc.loop_unroll_factor = 16 : i64, sc.parallel_access}
    %add3A_85 = arith.constant 384 : i32
    %add3A_86 = arith.addi %mul3A_2, %add3A_85 : i32
    %dma_start3A_87 = arith.constant 0 : i32
    %dma_start3A_88 = tpu.memref_slice %arg4[%add3A_86, %dma_start3A_87] : memref<16384x32xi32, #tpu.memory_space<hbm>> -> memref<128x32xi32, #tpu.memory_space<hbm>>
    %dma_start3A_89 = arith.constant 0 : i32
    %dma_start3A_90 = tpu.memref_slice %arg4[%add3A_86, %dma_start3A_89] : memref<16384x32xi32, #tpu.memory_space<hbm>> -> memref<128x32xi32, #tpu.memory_space<hbm>>
    tpu.enqueue_dma source(%arg8 : memref<128x32xi32, #tpu.memory_space<vmem>>) target(%dma_start3A_90 : memref<128x32xi32, #tpu.memory_space<hbm>>) target_semaphore(%arg13 : memref<!tpu.dma_semaphore, #tpu.memory_space<semaphore_mem>>)
    %dma_wait3A_91 = arith.constant 0 : i32
    %dma_wait3A_92 = tpu.memref_slice %arg4[%add3A_69, %dma_wait3A_91] : memref<16384x32xi32, #tpu.memory_space<hbm>> -> memref<128x32xi32, #tpu.memory_space<hbm>>
    %dma_wait3A_93 = arith.constant 0 : i32
    %dma_wait3A_94 = tpu.memref_slice %arg4[%add3A_69, %dma_wait3A_93] : memref<16384x32xi32, #tpu.memory_space<hbm>> -> memref<128x32xi32, #tpu.memory_space<hbm>>
    tpu.wait_dma2 semaphore(%arg12 : memref<!tpu.dma_semaphore, #tpu.memory_space<semaphore_mem>>) src(%arg7 : memref<128x32xi32, #tpu.memory_space<vmem>>) dst(%dma_wait3A_94 : memref<128x32xi32, #tpu.memory_space<hbm>>)
    %dma_wait3A_95 = arith.constant 0 : i32
    %dma_wait3A_96 = tpu.memref_slice %arg4[%add3A_86, %dma_wait3A_95] : memref<16384x32xi32, #tpu.memory_space<hbm>> -> memref<128x32xi32, #tpu.memory_space<hbm>>
    %dma_wait3A_97 = arith.constant 0 : i32
    %dma_wait3A_98 = tpu.memref_slice %arg4[%add3A_86, %dma_wait3A_97] : memref<16384x32xi32, #tpu.memory_space<hbm>> -> memref<128x32xi32, #tpu.memory_space<hbm>>
    tpu.wait_dma2 semaphore(%arg13 : memref<!tpu.dma_semaphore, #tpu.memory_space<semaphore_mem>>) src(%arg8 : memref<128x32xi32, #tpu.memory_space<vmem>>) dst(%dma_wait3A_98 : memref<128x32xi32, #tpu.memory_space<hbm>>)
    return
  }
}

</mosaic_0001>

<sc_bundles>
// kernel: kernel.3.cloned.1.call-start
scs
__scs_entry_jumppad:
0x0: {  	(pc) =	sbr.rel $0x88, $3  }
0x1: {  	(tag) =	ssettag $0x0;
	lr =	simm.s32 $0x1  }
0x2: {  	[smem:$0x3F9F] =	sst lr;
	_ =	strace $0xD0000000  }
0x3: {  	_ = 	snop  }
0x4: {  	_ = 	snop  }
0x5: {  	_ = 	snop  }
0x6: {  	_ = 	snop  }
0x7: {  	_ = 	snop  }
__scs_overlays_trampoline_lowered:
0x8: {  	[smem:$0x3FAE] =	sst s0  }
0x9: {  	[smem:$0x3FAF] =	sst s1  }
0xa: {  	[smem:$0x3FB0] =	sst s2  }
0xb: {  	[smem:$0x3FB1] =	sst s3  }
0xc: {  	[smem:$0x3FB2] =	sst s4  }
0xd: {  	[smem:$0x3FB3] =	sst s5  }
0xe: {  	[smem:$0x3FB4] =	sst s6  }
0xf: {  	[smem:$0x3FB5] =	sst s7  }
0x10: {  	[smem:$0x3FB6] =	sst s8  }
0x11: {  	[smem:$0x3FB7] =	sst s9;
	s0 =	simm.s32 @!p0 $0x0  }
0x12: {  	s1 =	sld [smem:$0x3F9D];
	s0 =	simm.s32 @p0 $0x1  }
0x13: {  	[smem:$0x3FB8] =	sst s0;
	s0 =	simm.s32 @!p1 $0x0  }
0x14: {  	s2 =	sld [smem:$0x3F9C];
	s0 =	simm.s32 @p1 $0x1  }
0x15: {  	[smem:$0x3FB9] =	sst s0;
	s0 =	simm.s32 @!p2 $0x0  }
0x16: {  	s3 =	sld [smem:$0x3FDB];
	s0 =	simm.s32 @p2 $0x1  }
0x17: {  	s4 =	simm.s32 $0x1BF5;
	[smem:$0x3FBB] =	sst s0  }
0x18: {  	s0 =	sld [smem:$0x3F9E];
	_ =	swait.ge [sflag:s4], $0x0  }
0x19: {  	s7 =	sld [smem:$0x3F9F]  }
0x1a: {  	s8 =	sadd.s32 $0xFFFFE003, lr  }
0x1b: {  	s9 =	sadd.s32 $0xFFFFFEF7, lr;
	s5 =	simm.s32 $0xFFFFFFFF;
	p2 =	slt.u32 s8, $0xFFFFF086  }
0x1c: {  	p1 =	slt.u32 s9, $0xF7A;
	s5 =	simm.s32 @!p2 $0x0  }
0x1d: {  	s5 =	simm.s32 @p1 $0x1;
	p0 =	seq.s32 s7, s2  }
0x1e: {  	s7 =	smul.u32 @!p0 $0xF7A, s2;
	p2 =	seq.s32 @!p0 s5, $0x0  }
0x1f: {  	s9 =	smul.u32 $0xF7A, s1;
	s8 =	simm.s32 @!p0 $0x1BF5;
	p2 =	por !p2, p0  }
0x20: {  	[sflag:s8] =	ssyncset.s32 @!p0 $0xFFFFF086;
	s6 =	sadd.s32 @!p0 s3, s7;
	s7 =	simm.s32 @!p0 $0x108  }
0x21: {  	s3 =	sadd.s32 s3, s9;
	s6 =	sadd.s32 @!p0 $0x88, s6;
	s7 =	simm.s32 @p2 $0x1082  }
0x22: {  	[simem:s7], [sflag:s8] =	dma.local @!p0 [hbm:s6], $0xF7A  }
0x23: {  	s9 =	sor.u32 $0xD0000000, s2;
	s6 =	simm.s32 $0x108;
	_ =	swait.ge @!p0 [sflag:s8], $0x0  }
0x24: {  	s3 =	sadd.s32 $0x88, s3;
	s6 =	simm.s32 @!p1 $0x1082;
	[sflag:s4] =	ssyncset.s32 $0xFFFFF086  }
0x25: {  	[simem:s6], [sflag:s4] =	dma.local [hbm:s3], $0xF7A  }
0x26: {  	[smem:$0x3F9F] =	sst s1;
	(tag) =	ssettag s2;
	_ =	strace s9  }
0x27: {  	s1 =	sld [smem:$0x3FAF]  }
0x28: {  	s2 =	sld [smem:$0x3FB0]  }
0x29: {  	s4 =	sld [smem:$0x3FB2]  }
0x2a: {  	p0 =	seq.s32 s5, $0x0;
	s5 =	sld [smem:$0x3FB3]  }
0x2b: {  	s6 =	sld [smem:$0x3FB4]  }
0x2c: {  	s7 =	sld [smem:$0x3FB5]  }
0x2d: {  	s3 =	simm.s32 $0x108;
	s8 =	sld [smem:$0x3FB6]  }
0x2e: {  	s3 =	simm.s32 @!p0 $0x1082;
	s9 =	sld [smem:$0x3FB7]  }
0x2f: {  	lr =	sadd.s32 s0, s3;
	s0 =	sld [smem:$0x3FAE]  }
0x30: {  	s3 =	sld [smem:$0x3FB1]  }
0x31: {  	[smem:$0x3FBA] =	sst s10  }
0x32: {  	s10 =	sld [smem:$0x3FB8];
	_ =	sdelay $0x3  }
0x33: {  	p0 =	seq.s32 s10, $0x1;
	s10 =	sld [smem:$0x3FBA];
	_ =	sdelay $0x3  }
0x34: {  	[smem:$0x3FBA] =	sst s10  }
0x35: {  	s10 =	sld [smem:$0x3FB9];
	_ =	sdelay $0x3  }
0x36: {  	p1 =	seq.s32 s10, $0x1;
	s10 =	sld [smem:$0x3FBA];
	_ =	sdelay $0x3  }
0x37: {  	[smem:$0x3FBA] =	sst s10  }
0x38: {  	s10 =	sld [smem:$0x3FBB]  }
0x39: {  	_ = 	snop;
	(pc) =	sbr.ind lr, $3  }
0x3a: {  	_ = 	snop  }
0x3b: {  	_ = 	snop  }
0x3c: {  	p2 =	seq.s32 s10, $0x1;
	s10 =	sld [smem:$0x3FBA]  }
0x3d: {  	_ =	shalt  }
0x3e: {  	_ =	shalt  }
0x3f: {  	_ =	shalt  }
0x40: {  	_ =	shalt  }
0x41: {  	_ =	shalt  }
0x42: {  	_ =	shalt  }
0x43: {  	_ =	shalt  }
0x44: {  	_ =	shalt  }
0x45: {  	_ =	shalt  }
0x46: {  	_ =	shalt  }
0x47: {  	_ =	shalt  }
0x48: {  	_ =	shalt  }
0x49: {  	_ =	shalt  }
0x4a: {  	_ =	shalt  }
0x4b: {  	_ =	shalt  }
0x4c: {  	_ =	shalt  }
0x4d: {  	_ =	shalt  }
0x4e: {  	_ =	shalt  }
0x4f: {  	_ =	shalt  }
0x50: {  	_ =	shalt  }
0x51: {  	_ =	shalt  }
0x52: {  	_ =	shalt  }
0x53: {  	_ =	shalt  }
0x54: {  	_ =	shalt  }
0x55: {  	_ =	shalt  }
0x56: {  	_ =	shalt  }
0x57: {  	_ =	shalt  }
0x58: {  	_ =	shalt  }
0x59: {  	_ =	shalt  }
0x5a: {  	_ =	shalt  }
0x5b: {  	_ =	shalt  }
0x5c: {  	_ =	shalt  }
0x5d: {  	_ =	shalt  }
0x5e: {  	_ =	shalt  }
0x5f: {  	_ =	shalt  }
0x60: {  	_ =	shalt  }
0x61: {  	_ =	shalt  }
0x62: {  	_ =	shalt  }
0x63: {  	_ =	shalt  }
0x64: {  	_ =	shalt  }
0x65: {  	_ =	shalt  }
0x66: {  	_ =	shalt  }
0x67: {  	_ =	shalt  }
0x68: {  	_ =	shalt  }
0x69: {  	_ =	shalt  }
0x6a: {  	_ =	shalt  }
0x6b: {  	_ =	shalt  }
0x6c: {  	_ =	shalt  }
0x6d: {  	_ =	shalt  }
0x6e: {  	_ =	shalt  }
0x6f: {  	_ =	shalt  }
0x70: {  	_ =	shalt  }
0x71: {  	_ =	shalt  }
0x72: {  	_ =	shalt  }
0x73: {  	_ =	shalt  }
0x74: {  	_ =	shalt  }
0x75: {  	_ =	shalt  }
0x76: {  	_ =	shalt  }
0x77: {  	_ =	shalt  }
0x78: {  	_ =	shalt  }
0x79: {  	_ =	shalt  }
0x7a: {  	_ =	shalt  }
0x7b: {  	_ =	shalt  }
0x7c: {  	_ =	shalt  }
0x7d: {  	_ =	shalt  }
0x7e: {  	_ =	shalt  }
0x7f: {  	_ =	shalt  }
0x80: {  	_ =	shalt  }
0x81: {  	_ =	shalt  }
0x82: {  	_ =	shalt  }
0x83: {  	_ =	shalt  }
0x84: {  	_ =	shalt  }
0x85: {  	_ =	shalt  }
0x86: {  	_ =	shalt  }
0x87: {  	_ =	shalt  }
.Lfunc_end0:
.L_simem_size_0:
called_computation_lowered:
.L_overlay_start_0:
0x88: {  	s2 =	sld [smem:$0x3FD9]  }
0x89: {  	s3 =	sld [smem:$0x3FFE];
	_ =	sdelay $0x1  }
0x8a: {  	s1 =	srdreg.scid  }
0x8b: {  	s0 =	sand.u32 $0x1, s1  }
0x8c: {  	s17 =	sshll.u32 s0, $0xA;
	s2 =	sadd.s32 s3, s2  }
0x8d: {  	s2 =	sadd.s32 s2, s17  }
0x8e: {  	[smem:$0x3FC6] =	sst s2  }
0x8f: {  	_ = 	snop  }
0x90: {  	s2 =	sld [smem:$0x3FD0];
	(tm) =	ssettm $0x1  }
0x91: {  	s18 =	sld [smem:$0x3FFB];
	_ =	sdelay $0x3  }
0x92: {  	_ =	strace s18  }
0x93: {  	s3 =	sld [smem:$0x3FFC];
	_ =	sdelay $0x3  }
0x94: {  	_ =	strace s3  }
0x95: {  	s3 =	sld [smem:$0x3FFD];
	_ =	sdelay $0x3  }
0x96: {  	_ =	strace s3  }
0x97: {  	_ =	strace $0x8FFFFFFF  }
0x98: {  	s19 =	sld [smem:$0x3FDB];
	_ =	sdelay $0x1  }
0x99: {  	s4 =	simm.s32 $_scs_section_size  }
0x9a: {  	s5 =	simm.s32 $_size__tile_overlayer_lowered;
	s6 =	simm.s32 $_tile_overlayer_lowered  }
0x9b: {  	s22 =	simm.s32 $0x1BFF;
	s21 =	sshll.u32 s6, $0x1;
	s3 =	sadd.s32 s4, s19  }
0x9c: {  	s7 =	simm.s32 $0x0;
	s20 =	sshll.u32 s5, $0x1;
	s5 =	sadd.s32 s21, s3  }
0x9d: {  	[timem:s7], [sflag:s22] =	dma.local [hbm:s5], s20  }
0x9e: {  	_ =	swait.ge [sflag:s22], s20  }
0x9f: {  	s4 =	ssub.s32 $0x0, s20;
	[sflag:s22] =	ssyncset.done $0x0  }
0xa0: {  	[sflag:s22] =	ssyncadd.s32 s4;
	_ =	sdelay $0x1  }
0xa1: {  	s23 =	simm.s32 $0x1B8B  }
0xa2: {  	_ =	swait.ge [sflag:s23], $0x1  }
0xa3: {  	[sflag:s23] =	ssyncset.done $0x0  }
0xa4: {  	s25 =	simm.s32 $0x1B8E;
	s24 =	sld [smem:$0x3FFE];
	[sflag:s23] =	ssyncadd.s32 $0xFFFFFFFF  }
0xa5: {  	s26 =	simm.s32 $execute0_lowered;
	[smem:$0x3FD2] =	sst s25  }
0xa6: {  	s5 =	sshll.u32 s26, $0x1;
	_ =	strace $0x80000046;
	[dreg:$0x1] =	wrdreg $0xFFFFFFFF  }
0xa7: {  	s28 =	simm.s32 $_size_execute0_lowered;
	s3 =	sadd.s32 s3, s5;
	[dreg:$0x0] =	wrdreg $0x0  }
0xa8: {  	s5 =	sshll.u32 s28, $0x1;
	[dreg:$0x2] =	wrdreg s3  }
0xa9: {  	[dreg:$0x3] =	wrdreg s5  }
0xaa: {  	[dreg:$0x4] =	wrdreg $0xC0  }
0xab: {  	_ =	task [dreg:s7], $0x5FFFF  }
0xac: {  	[dreg:$0x1] =	wrdreg $0xFFFFFFFF  }
0xad: {  	[dreg:$0x0] =	wrdreg $0x60  }
0xae: {  	[dreg:$0x2] =	wrdreg s24  }
0xaf: {  	[dreg:$0x3] =	wrdreg s2  }
0xb0: {  	[dreg:$0x4] =	wrdreg $0x9  }
0xb1: {  	_ =	task.clear_ibuf [dreg:s7], $0x5FFFF;
	_ =	strace $0x90000046  }
0xb2: {  	s29 =	simm.s32 $0x9;
	_ =	strace $0x80000048  }
0xb3: {  	_ =	swait.ge [sflag:s29], $0x1  }
0xb4: {  	[sflag:s29] =	ssyncadd.s32 $0xFFFFFFFF  }
0xb5: {  	_ =	strace $0x90000048  }
0xb6: {  	_ =	sfence  }
0xb7: {  	s30 =	sld [smem:$0x0];
	_ =	sdelay $0x2  }
0xb8: {  	s31 =	sshll.u32 s1, $0xD;
	s1 =	sshrl.u32 s1, $0x2  }
0xb9: {  	s3 =	sand.u32 $0x4000, s31;
	s1 =	sadd.s32 s1, s30  }
0xba: {  	s0 =	sor.u32 s3, s0;
	s1 =	sshll.u32 s1, $0x11  }
0xbb: {  	s0 =	sor.u32 s1, s0  }
0xbc: {  	s0 =	sadd.s32 $0x8F2B, s0  }
0xbd: {  	[sflag:s0] =	ssyncadd.remote.s32 $0x1  }
0xbe: {  	_ =	sfence.sel $0xFFFF  }
0xbf: {  	[dreg:$0x0] =	wrdreg $0xFFFFFFFF;
	(pc) =	sbr.abs _section_cstart, $3  }
0xc0: {  	[dreg:$0x1] =	wrdreg $0xFFFFFFFF  }
0xc1: {  	_ =	task.clear_ibuf [dreg:s7], $0x2FFFF;
	_ =	strace $0x9FFFFFFF  }
0xc2: {  	(tm) =	ssettm $0x7FFFFFFF  }
0xc3: {  	_ =	shalt  }
tec
execute0_lowered:
.L_overlay_start_1:
0x0: {  	(tag) =	ssettag $0x1  }
0x1: {  	s0 =	rddreg [dreg:$0x0]  }
0x2: {  	s3 =	simm.s32 $0x0;
	s1 =	srdreg.scid;
	s4 =	stileid.u32  }
0x3: {  	s14 =	simm.s32 $0x5;
	s15 =	simm.s32 $0x4000;
	s16 =	simm.s32 $0x1  }
0x4: {  	s17 =	simm.s32 $0x8000;
	s18 =	simm.s32 $0x2;
	s19 =	simm.s32 $0xC000  }
0x5: {  	s20 =	simm.s32 $0x3;
	s21 =	simm.s32 $0x4;
	s22 =	simm.s32 $0x0  }
0x6: {  	[smem:$0x7FF] =	sst s3;
	s1 =	sand.u32 $0x1, s1;
	s4 =	sshll.u32 s4, $0xE  }
0x7: {  	s11 =	sadd.s32 $0x40000, s0;
	s2 =	ssub.s32 $0x2, s1;
	s1 =	sshll.u32 s1, $0xD  }
0x8: {  	_ =	strace $0x80000047;
	s5 =	sshrl.u32 s2, $0x1;
	s1 =	sor.u32 s1, s4  }
0x9: {  	s2 =	ssub.s32 s2, s5;
	s8 =	sor.u32 $0x800, s1;
	s4 =	sadd.s32 s0, s1  }
0xa: {  	s10 =	sor.u32 $0x1000, s1;
	s29 =	sadd.s32 s11, s1;
	[dreg:$0x3] =	wrdreg s4  }
0xb: {  	v0 =	vlaneseq.u32;
	s1 =	sor.u32 $0x1800, s1;
	s28 =	sadd.s32 s0, s8;
	[dreg:$0x5] =	wrdreg s29  }
0xc: {  	v0 =	vmul.u32 $0x2, v0;
	s30 =	sadd.s32 s0, s10;
	s31 =	sadd.s32 s11, s8;
	[dreg:$0x4] =	wrdreg s28  }
0xd: {  	s9 =	sadd.s32 s0, s1;
	s10 =	sadd.s32 s11, s10;
	[dreg:$0x6] =	wrdreg s30  }
0xe: {  	v1 =	vor.u32 $0x1, v0;
	s11 =	sadd.s32 s11, s1;
	s12 =	smax.u32 s2, $0x1;
	[dreg:$0x7] =	wrdreg s31  }
.LBB2_1:
0xf: {  	s0 =	rddreg [dreg:$0x1];
	s1 =	simm.s32 $0x10000  }
0x10: {  	[tilespmem:s1], [sflag:$0x5] =	stream.linear.gather [hbm4b:s0+s3], $0x80, $0x38;
	[tilespmem:$0x10080] =	vst v63  }
0x11: {  	_ =	swait.ge [sflag:s14], $0x80  }
0x12: {  	[sflag:s14] =	ssyncset.done $0x0  }
0x13: {  	[sflag:s14] =	ssyncadd.s32 $0xFFFFFF80  }
0x14: {  	v2 =	vld [tilespmem:$0x10000];
	_ =	sdelay $0x2  }
0x15: {  	s4 =	simm.s32 $0x180;
	s6 =	rddreg [dreg:$0x3]  }
0x16: {  	[tilespmem:s3], [sflag:$0x1] =	stream.linear.gather [hbm4b:s6+s3], $0x4000, $0x38;
	[tilespmem:$0x10080] =	vst v63  }
0x17: {  	s31 =	simm.s32 $0x280;
	s23 =	simm.s32 $0x200;
	s7 =	rddreg [dreg:$0x4];
	v4 =	vadd.s32 s4, v2  }
0x18: {  	[tilespmem:s15], [sflag:$0x2] =	stream.linear.gather [hbm4b:s7+s3], $0x4000, $0x38;
	v5 =	vadd.s32 s31, v2;
	[tilespmem:$0x10080] =	vst v63  }
0x19: {  	s5 =	simm.s32 $0x300;
	_ =	swait.ge [sflag:s16], $0x4000;
	v7 =	vadd.s32 s23, v2  }
0x1a: {  	s0 =	simm.s32 $0x80;
	[sflag:s16] =	ssyncset.done $0x0;
	v8 =	vadd.s32 s5, v2  }
0x1b: {  	s28 =	simm.s32 $0x580;
	[sflag:s16] =	ssyncadd.s32 $0xFFFFC000;
	v11 =	vadd.s32 s0, v2  }
0x1c: {  	s30 =	simm.s32 $0x400;
	v12 =	vadd.s32 s28, v2;
	v35 =	vld.idx.msk [tilespmem:v4+s3+$0x0], $0xffff  }
0x1d: {  	s26 =	simm.s32 $0x0;
	s24 =	simm.s32 $0x380;
	v16 =	vadd.s32 s30, v2;
	v24 =	vld.idx.msk [tilespmem:v5+s3+$0x0], $0xffff  }
0x1e: {  	s13 =	simm.s32 $0x700;
	s29 =	simm.s32 $0x600;
	v58 =	vor.u32 s26, v0;
	v59 =	vor.u32 s23, v1;
	v20 =	vadd.s32 s24, v2;
	v13 =	vld.idx.msk [tilespmem:v7+s3+$0x0], $0xffff  }
0x1f: {  	s2 =	simm.s32 $0x680;
	s8 =	simm.s32 $0x780;
	v25 =	vor.u32 s31, v0;
	v14 =	vor.u32 s29, v0;
	v28 =	vadd.s32 s13, v2;
	v30 =	vld.idx.msk [tilespmem:v8+s3+$0x0], $0xffff  }
0x20: {  	v31 =	vor.u32 s5, v0;
	v15 =	vor.u32 s2, v1;
	v32 =	vadd.s32 s8, v2;
	v11 =	vld.idx.msk [tilespmem:v11+s3+$0x0], $0xffff  }
0x21: {  	v18 =	vor.u32 s30, v0;
	v22 =	vor.u32 s13, v1;
	s6 =	simm.s32 $0x500;
	v27 =	vadd.s32 s2, v2;
	v12 =	vld.idx.msk [tilespmem:v12+s3+$0x0], $0xffff  }
0x22: {  	v37 =	vor.u32 s8, v1;
	v23 =	vor.u32 s0, v0;
	s7 =	simm.s32 $0x480;
	v26 =	vadd.s32 s6, v2;
	v19 =	vld.idx.msk [tilespmem:v16+s3+$0x0], $0xffff  }
0x23: {  	s25 =	simm.s32 $0x100;
	v33 =	vor.u32 s6, v0;
	v39 =	vor.u32 s6, v1;
	v34 =	vor.u32 s7, v0;
	v36 =	vld.idx.msk [tilespmem:v20+s3+$0x0], $0xffff  }
0x24: {  	v17 =	vor.u32 s7, v1;
	v9 =	vadd.s32 s26, v2;
	v10 =	vadd.s32 s25, v2;
	v28 =	vld.idx.msk [tilespmem:v28+s3+$0x0], $0xffff  }
0x25: {  	v29 =	vadd.s32 s7, v2;
	v3 =	vadd.s32 s29, v2;
	v5 =	vor.u32 s4, v0;
	v32 =	vld.idx.msk [tilespmem:v32+s3+$0x0], $0xffff  }
0x26: {  	v7 =	vor.u32 s5, v1;
	v16 =	vor.u32 s28, v0;
	v8 =	vor.u32 s4, v1;
	v27 =	vld.idx.msk [tilespmem:v27+s3+$0x0], $0xffff  }
0x27: {  	v26 =	vld.idx.msk [tilespmem:v26+s3+$0x0], $0xffff;
	v21 =	vshrl.u32 v35, $0x3;
	v38 =	vshrl.u32 v24, $0x3;
	v40 =	vshrl.u32 v13, $0x3  }
0x28: {  	v41 =	vand.u32 $0x80000000, v13;
	v20 =	vshrl.u32 v30, $0x3;
	v43 =	vshrl.u32 v11, $0x3  }
0x29: {  	v44 =	vand.u32 $0x80000000, v12;
	v45 =	vshrl.u32 v12, $0x3;
	v46 =	vand.u32 $0x80000000, v19  }
0x2a: {  	v47 =	vshrl.u32 v19, $0x3;
	v48 =	vand.u32 $0x80000000, v36;
	v50 =	vshrl.u32 v36, $0x3  }
0x2b: {  	v62 =	vshrl.u32 v28, $0x3;
	v51 =	vand.u32 $0x80000000, v28;
	v53 =	vshrl.u32 v32, $0x3  }
0x2c: {  	v54 =	vand.u32 $0x80000000, v27;
	v55 =	vshrl.u32 v26, $0x3;
	v57 =	vand.u32 $0x80000000, v26  }
0x2d: {  	v28 =	vshll.u32 v28, $0x1D;
	v19 =	vshll.u32 v19, $0x1D;
	v12 =	vshll.u32 v12, $0x1D  }
0x2e: {  	v13 =	vshll.u32 v13, $0x1D;
	v42 =	vand.u32 $0xFF00000, v40;
	v49 =	vand.u32 $0xFF00000, v45  }
0x2f: {  	v52 =	vand.u32 $0xFF00000, v62;
	v56 =	vand.u32 $0xFF00000, v50;
	v63 =	vand.u32 $0xFF00000, v55  }
0x30: {  	v55 =	vand.u32 $0xFFFFF, v55;
	v61 =	vand.u32 $0xFFFFF, v47;
	v47 =	vand.u32 $0xFF00000, v47  }
0x31: {  	v62 =	vand.u32 $0xFFFFF, v62;
	v45 =	vand.u32 $0xFFFFF, v45;
	[tilespmem:v18+s17+$0x0] =	vst.idx.msk $0xffff, v19;
	v18 =	vor.u32 s29, v1  }
0x32: {  	[tilespmem:v16+s17+$0x0] =	vst.idx.msk $0xffff, v12;
	v12 =	vor.u32 s25, v0;
	v16 =	vand.u32 $0xFFFFF, v20;
	v41 =	vor.u32 v41, v42  }
0x33: {  	v4 =	vld.idx.msk [tilespmem:v3+s3+$0x0], $0xffff;
	v42 =	vshll.u32 v24, $0x1D;
	v44 =	vor.u32 v44, v49;
	v48 =	vor.u32 v48, v56  }
0x34: {  	v56 =	vor.u32 v57, v63;
	v57 =	vshrl.u32 v27, $0x3;
	v51 =	vor.u32 v51, v52  }
0x35: {  	v46 =	vor.u32 v46, v47;
	v63 =	vand.u32 $0x80000000, v30;
	v24 =	vand.u32 $0x80000000, v24  }
0x36: {  	v27 =	vshll.u32 v27, $0x1D;
	v52 =	vor.u32 v55, v56;
	v60 =	vand.u32 $0xFF00000, v57  }
0x37: {  	v55 =	vand.u32 $0x80000000, v32;
	v46 =	vor.u32 v61, v46;
	v61 =	vand.u32 $0xFF00000, v53  }
0x38: {  	v47 =	vor.u32 v62, v51;
	v51 =	vand.u32 $0x80000000, v11;
	v62 =	vshrl.u32 v4, $0x3  }
0x39: {  	v29 =	vld.idx.msk [tilespmem:v29+s3+$0x0], $0xffff;
	v53 =	vand.u32 $0xFFFFF, v53;
	v44 =	vor.u32 v45, v44;
	v11 =	vshll.u32 v11, $0x1D  }
0x3a: {  	v54 =	vor.u32 v54, v60;
	v60 =	vand.u32 $0xFF00000, v20;
	v55 =	vor.u32 v55, v61  }
0x3b: {  	v61 =	vand.u32 $0xFF00000, v43;
	v56 =	vand.u32 $0xFFFFF, v62;
	v43 =	vand.u32 $0xFFFFF, v43  }
0x3c: {  	[tilespmem:v23+s17+$0x0] =	vst.idx.msk $0xffff, v11;
	v23 =	vor.u32 s2, v0;
	v11 =	vshll.u32 v30, $0x1D;
	v49 =	vor.u32 v63, v60  }
0x3d: {  	v63 =	vand.u32 $0x80000000, v4;
	v53 =	vor.u32 v53, v55;
	v60 =	vand.u32 $0xFF00000, v62  }
0x3e: {  	v51 =	vor.u32 v51, v61;
	v62 =	vand.u32 $0x80000000, v35;
	v61 =	vshrl.u32 v29, $0x3  }
0x3f: {  	[tilespmem:v31+s17+$0x0] =	vst.idx.msk $0xffff, v11;
	v31 =	vor.u32 s8, v0;
	v11 =	vshll.u32 v26, $0x1D;
	v26 =	vadd.s32 $0x38000000, v52  }
0x40: {  	v45 =	vor.u32 v63, v60;
	v63 =	vand.u32 $0xFF00000, v21;
	v60 =	vand.u32 $0xFF00000, v38  }
0x41: {  	[tilespmem:v25+s17+$0x0] =	vst.idx.msk $0xffff, v42;
	v43 =	vor.u32 v43, v51;
	v38 =	vand.u32 $0xFFFFF, v38;
	v55 =	vor.u32 v62, v63  }
0x42: {  	[tilespmem:v33+s17+$0x0] =	vst.idx.msk $0xffff, v11;
	v11 =	vld.idx.msk [tilespmem:v10+s3+$0x0], $0xffff;
	v24 =	vor.u32 v24, v60;
	v62 =	vand.u32 $0x80000000, v29;
	v63 =	vand.u32 $0xFF00000, v61  }
0x43: {  	v60 =	vand.u32 $0xFFFFF, v61;
	[tilespmem:v39+s17+$0x0] =	vst.idx.msk $0xffff, v26;
	v26 =	vshll.u32 v29, $0x1D;
	v29 =	vor.u32 s24, v0;
	v61 =	vld.idx.msk [tilespmem:v9+s3+$0x0], $0xffff  }
0x44: {  	v10 =	vor.u32 s0, v1;
	v45 =	vor.u32 v56, v45;
	v56 =	vor.u32 s13, v0;
	[tilespmem:v34+s17+$0x0] =	vst.idx.msk $0xffff, v26  }
0x45: {  	v9 =	vand.u32 $0xFFFFF, v40;
	v25 =	vor.u32 v62, v63;
	[tilespmem:v23+s17+$0x0] =	vst.idx.msk $0xffff, v27;
	v27 =	vshll.u32 v32, $0x1D  }
0x46: {  	v62 =	vadd.s32 $0x38000000, v47;
	v23 =	vor.u32 s31, v1;
	[tilespmem:v31+s17+$0x0] =	vst.idx.msk $0xffff, v27;
	v27 =	vadd.s32 $0x38000000, v53  }
0x47: {  	v31 =	vshll.u32 v36, $0x1D;
	[tilespmem:v37+s17+$0x0] =	vst.idx.msk $0xffff, v27;
	v27 =	vand.u32 $0x80000000, v11;
	v63 =	vshrl.u32 v11, $0x3  }
0x48: {  	[tilespmem:v29+s17+$0x0] =	vst.idx.msk $0xffff, v31;
	v31 =	vor.u32 v9, v41;
	v9 =	vand.u32 $0xFF00000, v63;
	v29 =	vshrl.u32 v61, $0x3  }
0x49: {  	[tilespmem:v56+s17+$0x0] =	vst.idx.msk $0xffff, v28;
	v27 =	vor.u32 v27, v9;
	v9 =	vand.u32 $0x80000000, v61;
	v28 =	vand.u32 $0xFF00000, v29  }
0x4a: {  	v24 =	vor.u32 v38, v24;
	[tilespmem:v22+s17+$0x0] =	vst.idx.msk $0xffff, v62;
	v22 =	vor.u32 v9, v28;
	v9 =	vadd.s32 $0x38000000, v43  }
0x4b: {  	v25 =	vor.u32 v60, v25;
	[tilespmem:v10+s17+$0x0] =	vst.idx.msk $0xffff, v9;
	v10 =	vand.u32 $0xFFFFF, v21;
	v21 =	vadd.s32 $0x38000000, v24  }
0x4c: {  	v26 =	vand.u32 $0xFFFFF, v57;
	v28 =	vor.u32 s30, v1;
	[tilespmem:v23+s17+$0x0] =	vst.idx.msk $0xffff, v21;
	v23 =	vadd.s32 $0x38000000, v25  }
0x4d: {  	v30 =	vand.u32 $0xFFFFF, v50;
	v26 =	vor.u32 v26, v54;
	[tilespmem:v17+s17+$0x0] =	vst.idx.msk $0xffff, v23;
	v17 =	vor.u32 s28, v1  }
0x4e: {  	v3 =	vor.u32 v30, v48;
	v16 =	vor.u32 v16, v49;
	v19 =	vadd.s32 $0x38000000, v26  }
0x4f: {  	v20 =	vadd.s32 $0x38000000, v45;
	[tilespmem:v15+s17+$0x0] =	vst.idx.msk $0xffff, v19;
	v15 =	vadd.s32 $0x38000000, v46;
	v19 =	vand.u32 $0xFFFFF, v63  }
0x50: {  	v9 =	vor.u32 s26, v1;
	v23 =	vand.u32 $0xFFFFF, v29;
	v29 =	vor.u32 s23, v0  }
0x51: {  	v23 =	vor.u32 v23, v22;
	v22 =	vor.u32 s24, v1;
	[tilespmem:v28+s17+$0x0] =	vst.idx.msk $0xffff, v15;
	v15 =	vadd.s32 $0x38000000, v44  }
0x52: {  	v21 =	vor.u32 v10, v55;
	v10 =	vor.u32 s25, v1;
	[tilespmem:v17+s17+$0x0] =	vst.idx.msk $0xffff, v15;
	v15 =	vshll.u32 v4, $0x1D  }
0x53: {  	v25 =	vadd.s32 $0x38000000, v3;
	v17 =	vor.u32 v19, v27;
	v19 =	vadd.s32 $0x38000000, v31;
	[tilespmem:v14+s17+$0x0] =	vst.idx.msk $0xffff, v15  }
0x54: {  	s23 =	simm.s32 $0x10;
	v15 =	vadd.s32 $0x38000000, v23;
	v14 =	vadd.s32 $0x38000000, v16;
	[tilespmem:v18+s17+$0x0] =	vst.idx.msk $0xffff, v20;
	v18 =	vshll.u32 v61, $0x1D  }
.LBB2_2:
0x55: {  	s2 =	sshll.u32 s23, $0x7;
	[tilespmem:v29+s17+$0x0] =	vst.idx.msk $0xffff, v13  }
0x56: {  	[tilespmem:v22+s17+$0x0] =	vst.idx.msk $0xffff, v25;
	s25 =	sadd.s32 $0x280, s2  }
0x57: {  	v11 =	vshll.u32 v11, $0x1D;
	v16 =	vadd.s32 $0x38000000, v21;
	s24 =	sadd.s32 $0x200, s2;
	[tilespmem:v59+s17+$0x0] =	vst.idx.msk $0xffff, v19;
	v21 =	vadd.s32 s25, v2  }
0x58: {  	v3 =	vadd.s32 s2, v2;
	s1 =	sadd.s32 $0x80, s2;
	[tilespmem:v12+s17+$0x0] =	vst.idx.msk $0xffff, v11;
	v20 =	vadd.s32 s24, v2  }
0x59: {  	v6 =	vshll.u32 v35, $0x1D;
	s26 =	sadd.s32 $0x380, s2;
	s13 =	sadd.s32 $0x580, s2;
	[tilespmem:$0x1FF80] =	vst v3;
	v3 =	vor.u32 s2, v0;
	v23 =	vadd.s32 s1, v2  }
0x5a: {  	s5 =	sadd.s32 $0x400, s2;
	s29 =	sadd.s32 $0x680, s2;
	v32 =	vor.u32 s1, v0;
	v26 =	vadd.s32 s26, v2;
	v27 =	vadd.s32 s13, v2;
	[tilespmem:$0x1FF70] =	vst v3  }
0x5b: {  	s4 =	sadd.s32 $0x300, s2;
	s31 =	sadd.s32 $0x700, s2;
	v28 =	vadd.s32 s5, v2;
	v38 =	vor.u32 s25, v0;
	v40 =	vadd.s32 s29, v2;
	[tilespmem:v58+s17+$0x0] =	vst.idx.msk $0xffff, v18  }
0x5c: {  	s7 =	sadd.s32 $0x500, s2;
	s8 =	sadd.s32 $0x780, s2;
	v41 =	vadd.s32 s31, v2;
	v22 =	vor.u32 s4, v0;
	[tilespmem:v5+s17+$0x0] =	vst.idx.msk $0xffff, v6;
	v25 =	vld.idx.msk [tilespmem:v21+s3+$0x0], $0xffff  }
0x5d: {  	s28 =	sadd.s32 $0x180, s2;
	s6 =	sadd.s32 $0x480, s2;
	v39 =	vadd.s32 s7, v2;
	v42 =	vor.u32 s7, v0;
	v44 =	vadd.s32 s8, v2;
	[tilespmem:v9+s17+$0x0] =	vst.idx.msk $0xffff, v15;
	v15 =	vld.idx.msk [tilespmem:v20+s3+$0x0], $0xffff  }
0x5e: {  	v17 =	vadd.s32 $0x38000000, v17;
	s30 =	sadd.s32 $0x600, s2;
	v43 =	vor.u32 s6, v0;
	v3 =	vor.u32 s28, v0;
	[tilespmem:v7+s17+$0x0] =	vst.idx.msk $0xffff, v14;
	v46 =	vld.idx.msk [tilespmem:v23+s3+$0x0], $0xffff  }
0x5f: {  	v12 =	vadd.s32 s30, v2;
	v29 =	vor.u32 s31, v1;
	v13 =	vor.u32 s31, v0;
	[tilespmem:$0x1FFF0] =	vst v3;
	v27 =	vld.idx.msk [tilespmem:v27+s3+$0x0], $0xffff  }
0x60: {  	v36 =	vor.u32 s8, v1;
	v47 =	vor.u32 s8, v0;
	v3 =	vor.u32 s30, v0;
	[tilespmem:v8+s17+$0x0] =	vst.idx.msk $0xffff, v16;
	v31 =	vld.idx.msk [tilespmem:v28+s3+$0x0], $0xffff  }
0x61: {  	s0 =	sadd.s32 $0x100, s2;
	v48 =	vor.u32 s7, v1;
	v52 =	vor.u32 s29, v0;
	[tilespmem:$0x1FFD0] =	vst v3;
	v3 =	vor.u32 s4, v1;
	v53 =	vld.idx.msk [tilespmem:v26+s3+$0x0], $0xffff  }
0x62: {  	v18 =	vadd.s32 s0, v2;
	v6 =	vadd.s32 s28, v2;
	[tilespmem:$0x1FFE0] =	vst v3;
	v3 =	vor.u32 s29, v1;
	v44 =	vld.idx.msk [tilespmem:v44+s3+$0x0], $0xffff  }
0x63: {  	v5 =	vor.u32 s24, v1;
	v14 =	vor.u32 s1, v1;
	[tilespmem:$0x1FF90] =	vst v3;
	v3 =	vor.u32 s28, v1;
	v40 =	vld.idx.msk [tilespmem:v40+s3+$0x0], $0xffff  }
0x64: {  	v8 =	vadd.s32 s4, v2;
	v16 =	vadd.s32 s6, v2;
	v39 =	vld.idx.msk [tilespmem:v39+s3+$0x0], $0xffff;
	[tilespmem:$0x1FFC0] =	vst v3;
	v3 =	vor.u32 s5, v1  }
0x65: {  	v21 =	vor.u32 s5, v0;
	[tilespmem:$0x1FFA0] =	vst v3;
	v3 =	vor.u32 s0, v1;
	v34 =	vshrl.u32 v25, $0x3  }
0x66: {  	v23 =	vand.u32 $0x80000000, v15;
	v49 =	vshrl.u32 v15, $0x3;
	v54 =	vshll.u32 v46, $0x1D  }
0x67: {  	v55 =	vand.u32 $0x80000000, v27;
	v56 =	vshrl.u32 v27, $0x3;
	v57 =	vand.u32 $0x80000000, v31  }
0x68: {  	v35 =	vld.idx.msk [tilespmem:v6+s3+$0x0], $0xffff;
	v58 =	vshrl.u32 v31, $0x3;
	v60 =	vand.u32 $0x80000000, v53;
	v61 =	vshrl.u32 v53, $0x3  }
0x69: {  	[tilespmem:v10+s17+$0x0] =	vst.idx.msk $0xffff, v17;
	v24 =	vld.idx.msk [tilespmem:v12+s3+$0x0], $0xffff;
	v4 =	vshrl.u32 v44, $0x3;
	v7 =	vshrl.u32 v40, $0x3;
	v9 =	vand.u32 $0x80000000, v39  }
0x6a: {  	v10 =	vshrl.u32 v39, $0x3;
	v50 =	vand.u32 $0xFF00000, v49;
	[tilespmem:v32+s17+$0x0] =	vst.idx.msk $0xffff, v54;
	v32 =	vand.u32 $0xFFFFF, v49  }
0x6b: {  	v45 =	vld.idx.msk [tilespmem:v8+s3+$0x0], $0xffff;
	v62 =	vand.u32 $0xFF00000, v56;
	v56 =	vand.u32 $0xFFFFF, v56;
	v8 =	vand.u32 $0xFFFFF, v58  }
0x6c: {  	v37 =	vld.idx.msk [tilespmem:v16+s3+$0x0], $0xffff;
	v30 =	vand.u32 $0xFF00000, v61;
	v6 =	vand.u32 $0xFF00000, v10;
	v10 =	vand.u32 $0xFFFFF, v10  }
0x6d: {  	v58 =	vand.u32 $0xFF00000, v58;
	v33 =	vshrl.u32 v35, $0x3;
	v28 =	vor.u32 v23, v50  }
0x6e: {  	v23 =	vshll.u32 v25, $0x1D;
	v50 =	vand.u32 $0x80000000, v24;
	v55 =	vor.u32 v55, v62  }
0x6f: {  	v30 =	vor.u32 v60, v30;
	v6 =	vor.u32 v9, v6;
	v9 =	vshll.u32 v39, $0x1D  }
0x70: {  	v25 =	vand.u32 $0x80000000, v25;
	v51 =	vshrl.u32 v45, $0x3;
	v59 =	vshll.u32 v45, $0x1D  }
0x71: {  	[tilespmem:v38+s17+$0x0] =	vst.idx.msk $0xffff, v23;
	v38 =	vld.idx.msk [tilespmem:v41+s3+$0x0], $0xffff;
	v41 =	vshrl.u32 v46, $0x3;
	v49 =	vshrl.u32 v37, $0x3;
	v46 =	vand.u32 $0x80000000, v46  }
0x72: {  	v6 =	vor.u32 v10, v6;
	v10 =	vand.u32 $0x80000000, v44;
	v60 =	vshll.u32 v37, $0x1D  }
0x73: {  	[tilespmem:v42+s17+$0x0] =	vst.idx.msk $0xffff, v9;
	v9 =	vand.u32 $0xFF00000, v7;
	v42 =	vand.u32 $0xFFFFF, v61;
	v7 =	vand.u32 $0xFFFFF, v7  }
0x74: {  	v45 =	vand.u32 $0x80000000, v45;
	v44 =	vshll.u32 v44, $0x1D;
	[tilespmem:v22+s17+$0x0] =	vst.idx.msk $0xffff, v59;
	v22 =	vshrl.u32 v24, $0x3  }
0x75: {  	v54 =	vand.u32 $0xFF00000, v41;
	v6 =	vadd.s32 $0x38000000, v6;
	v61 =	vand.u32 $0xFF00000, v51  }
0x76: {  	v19 =	vmovc v5;
	[tilespmem:v43+s17+$0x0] =	vst.idx.msk $0xffff, v60;
	v43 =	vor.u32 s25, v1;
	v59 =	vand.u32 $0xFFFFF, v22;
	v5 =	vand.u32 $0xFF00000, v22  }
0x77: {  	v22 =	vand.u32 $0x80000000, v40;
	v39 =	vor.u32 v45, v61;
	v61 =	vand.u32 $0x80000000, v35  }
0x78: {  	[tilespmem:v48+s17+$0x0] =	vst.idx.msk $0xffff, v6;
	v6 =	vor.u32 v22, v9;
	v9 =	vand.u32 $0xFFFFF, v49;
	v5 =	vor.u32 v50, v5  }
0x79: {  	v22 =	vand.u32 $0xFF00000, v4;
	v4 =	vand.u32 $0xFFFFF, v4;
	v5 =	vor.u32 v59, v5;
	v59 =	vmovc v19;
	v19 =	vld [tilespmem:$0x1FF80]  }
0x7a: {  	v10 =	vor.u32 v10, v22;
	v6 =	vor.u32 v7, v6;
	v7 =	vshll.u32 v31, $0x1D  }
0x7b: {  	v62 =	vand.u32 $0x80000000, v38;
	v63 =	vshrl.u32 v38, $0x3;
	v4 =	vor.u32 v4, v10  }
0x7c: {  	[tilespmem:$0x1FFB0] =	vst v3;
	v38 =	vshll.u32 v38, $0x1D;
	v3 =	vand.u32 $0xFF00000, v63;
	v60 =	vand.u32 $0xFFFFF, v63  }
0x7d: {  	[tilespmem:v47+s17+$0x0] =	vst.idx.msk $0xffff, v44;
	v4 =	vadd.s32 $0x38000000, v4;
	v3 =	vor.u32 v62, v3;
	v62 =	vor.u32 v57, v58  }
0x7e: {  	[tilespmem:v36+s17+$0x0] =	vst.idx.msk $0xffff, v4;
	v4 =	vand.u32 $0xFFFFF, v41;
	v3 =	vor.u32 v60, v3;
	v60 =	vor.u32 v46, v54  }
0x7f: {  	v8 =	vor.u32 v8, v62;
	v62 =	vor.u32 s26, v0;
	v4 =	vor.u32 v4, v60  }
0x80: {  	v11 =	vld.idx.msk [tilespmem:v18+s3+$0x0], $0xffff;
	v63 =	vor.u32 v56, v55;
	[tilespmem:v13+s17+$0x0] =	vst.idx.msk $0xffff, v38;
	v13 =	vand.u32 $0xFF00000, v33;
	v4 =	vadd.s32 $0x38000000, v4  }
0x81: {  	v10 =	vadd.s32 $0x38000000, v63;
	v3 =	vadd.s32 $0x38000000, v3;
	[tilespmem:v14+s17+$0x0] =	vst.idx.msk $0xffff, v4;
	v14 =	vor.u32 v32, v28;
	v63 =	vld.idx.msk [tilespmem:v19+s3+$0x0], $0xffff  }
0x82: {  	[tilespmem:v29+s17+$0x0] =	vst.idx.msk $0xffff, v3;
	v3 =	vor.u32 v61, v13;
	v13 =	vand.u32 $0xFF00000, v34;
	v19 =	vadd.s32 $0x38000000, v14;
	v14 =	vld [tilespmem:$0x1FFA0]  }
0x83: {  	v55 =	vshll.u32 v53, $0x1D;
	v34 =	vand.u32 $0xFFFFF, v34;
	v13 =	vor.u32 v25, v13  }
0x84: {  	v57 =	vand.u32 $0x80000000, v37;
	v13 =	vor.u32 v34, v13;
	[tilespmem:v62+s17+$0x0] =	vst.idx.msk $0xffff, v55;
	v62 =	vand.u32 $0xFF00000, v49  }
0x85: {  	v4 =	vadd.s32 $0x38000000, v13;
	v13 =	vor.u32 v42, v30;
	v25 =	vor.u32 v57, v62  }
0x86: {  	[tilespmem:v21+s17+$0x0] =	vst.idx.msk $0xffff, v7;
	v9 =	vor.u32 v9, v25;
	v25 =	vadd.s32 $0x38000000, v13;
	v13 =	vshrl.u32 v11, $0x3  }
0x87: {  	[tilespmem:v43+s17+$0x0] =	vst.idx.msk $0xffff, v4;
	v4 =	vadd.s32 $0x38000000, v9;
	v9 =	vand.u32 $0x80000000, v11;
	v7 =	vand.u32 $0xFF00000, v13  }
0x88: {  	v17 =	vor.u32 s6, v1;
	v7 =	vor.u32 v9, v7;
	v9 =	vld [tilespmem:$0x1FF90]  }
0x89: {  	v20 =	vor.u32 s13, v0;
	v8 =	vadd.s32 $0x38000000, v8  }
0x8a: {  	v26 =	vor.u32 s13, v1;
	[tilespmem:v14+s17+$0x0] =	vst.idx.msk $0xffff, v8;
	v14 =	vld [tilespmem:$0x1FFD0]  }
0x8b: {  	v12 =	vor.u32 s0, v0;
	v40 =	vshll.u32 v40, $0x1D  }
0x8c: {  	v18 =	vor.u32 s2, v1;
	v16 =	vor.u32 s30, v1;
	v23 =	vand.u32 $0xFFFFF, v51;
	[tilespmem:v52+s17+$0x0] =	vst.idx.msk $0xffff, v40  }
0x8d: {  	v22 =	vor.u32 s26, v1;
	v5 =	vadd.s32 $0x38000000, v5;
	[tilespmem:v17+s17+$0x0] =	vst.idx.msk $0xffff, v4;
	v4 =	vshll.u32 v27, $0x1D  }
0x8e: {  	p0 =	slt.u32 s23, $0x70;
	v6 =	vadd.s32 $0x38000000, v6;
	v33 =	vand.u32 $0xFFFFF, v33;
	v29 =	vor.u32 s24, v0;
	[tilespmem:v20+s17+$0x0] =	vst.idx.msk $0xffff, v4  }
.Ltmp0:
0x8f: {  	v58 =	vld [tilespmem:$0x1FF70];
	v21 =	vor.u32 v33, v3;
	v27 =	vand.u32 $0xFFFFF, v13;
	v20 =	vshrl.u32 v63, $0x3;
	[tilespmem:v26+s17+$0x0] =	vst.idx.msk $0xffff, v10;
	(pc) =	sbr.rel @p0 .LBB2_2-.Ltmp0, $4  }
0x90: {  	v4 =	vshll.u32 v24, $0x1D;
	v17 =	vand.u32 $0xFF00000, v20;
	v10 =	vld [tilespmem:$0x1FFB0];
	[tilespmem:v9+s17+$0x0] =	vst.idx.msk $0xffff, v6;
	v6 =	vand.u32 $0x80000000, v63  }
0x91: {  	v8 =	vand.u32 $0xFFFFF, v20;
	v6 =	vor.u32 v6, v17;
	v17 =	vor.u32 v27, v7;
	v7 =	vld [tilespmem:$0x1FFE0]  }
0x92: {  	v13 =	vshll.u32 v15, $0x1D;
	v3 =	vor.u32 v8, v6;
	v8 =	vld [tilespmem:$0x1FFC0];
	v6 =	vor.u32 v23, v39;
	[tilespmem:v14+s17+$0x0] =	vst.idx.msk $0xffff, v4  }
0x93: {  	s23 =	sadd.s32 $0x10, s23;
	v9 =	vmovc v18;
	v18 =	vshll.u32 v63, $0x1D;
	v15 =	vadd.s32 $0x38000000, v3;
	v14 =	vadd.s32 $0x38000000, v6;
	[tilespmem:v16+s17+$0x0] =	vst.idx.msk $0xffff, v5;
	v5 =	vld [tilespmem:$0x1FFF0]  }
0x94: {  	_ =	sdelay $0x3  }
0x95: {  	[tilespmem:v29+s17+$0x0] =	vst.idx.msk $0xffff, v13  }
0x96: {  	[tilespmem:v58+s17+$0x0] =	vst.idx.msk $0xffff, v18  }
0x97: {  	[tilespmem:v22+s17+$0x0] =	vst.idx.msk $0xffff, v25  }
0x98: {  	[tilespmem:v59+s17+$0x0] =	vst.idx.msk $0xffff, v19  }
0x99: {  	[tilespmem:v9+s17+$0x0] =	vst.idx.msk $0xffff, v15  }
0x9a: {  	v3 =	vshll.u32 v35, $0x1D;
	[tilespmem:v7+s17+$0x0] =	vst.idx.msk $0xffff, v14  }
0x9b: {  	[tilespmem:v5+s17+$0x0] =	vst.idx.msk $0xffff, v3;
	v3 =	vadd.s32 $0x38000000, v21  }
0x9c: {  	[tilespmem:v8+s17+$0x0] =	vst.idx.msk $0xffff, v3;
	v3 =	vshll.u32 v11, $0x1D  }
0x9d: {  	v4 =	vadd.s32 $0x38000000, v17;
	[tilespmem:v12+s17+$0x0] =	vst.idx.msk $0xffff, v3  }
0x9e: {  	[tilespmem:v10+s17+$0x0] =	vst.idx.msk $0xffff, v4  }
0x9f: {  	s0 =	simm.s32 $0x0;
	s4 =	simm.s32 $0x180;
	s1 =	rddreg [dreg:$0x5]  }
0xa0: {  	[hbm4b:s1+s0] =	stream.linear.scatter [tilespmem:s17], [sflag:$0x3], $0x4000, $0x38;
	[tilespmem:$0x10080] =	vst v63  }
0xa1: {  	s31 =	simm.s32 $0x280;
	s23 =	simm.s32 $0x200;
	v4 =	vadd.s32 s4, v2;
	s7 =	rddreg [dreg:$0x6]  }
0xa2: {  	v5 =	vadd.s32 s31, v2;
	[tilespmem:s0], [sflag:$0x1] =	stream.linear.gather [hbm4b:s7+s0], $0x4000, $0x38;
	[tilespmem:$0x10080] =	vst v63  }
0xa3: {  	s5 =	simm.s32 $0x300;
	v7 =	vadd.s32 s23, v2;
	_ =	swait.ge [sflag:s18], $0x4000  }
0xa4: {  	s28 =	simm.s32 $0x580;
	v8 =	vadd.s32 s5, v2;
	[sflag:s18] =	ssyncset.done $0x0  }
0xa5: {  	s26 =	simm.s32 $0x0;
	s30 =	simm.s32 $0x400;
	v12 =	vadd.s32 s28, v2;
	[sflag:s18] =	ssyncadd.s32 $0xFFFFC000  }
0xa6: {  	s24 =	simm.s32 $0x380;
	v9 =	vadd.s32 s26, v2;
	v16 =	vadd.s32 s30, v2;
	v35 =	vld.idx.msk [tilespmem:v4+s15+$0x0], $0xffff  }
0xa7: {  	s6 =	simm.s32 $0x500;
	s13 =	simm.s32 $0x700;
	v58 =	vor.u32 s26, v0;
	v59 =	vor.u32 s23, v1;
	v20 =	vadd.s32 s24, v2;
	v24 =	vld.idx.msk [tilespmem:v5+s15+$0x0], $0xffff  }
0xa8: {  	s2 =	simm.s32 $0x680;
	s8 =	simm.s32 $0x780;
	v25 =	vor.u32 s31, v0;
	v26 =	vadd.s32 s6, v2;
	v28 =	vadd.s32 s13, v2;
	v13 =	vld.idx.msk [tilespmem:v7+s15+$0x0], $0xffff  }
0xa9: {  	v27 =	vadd.s32 s2, v2;
	v31 =	vor.u32 s5, v0;
	v32 =	vadd.s32 s8, v2;
	v30 =	vld.idx.msk [tilespmem:v8+s15+$0x0], $0xffff  }
0xaa: {  	v33 =	vor.u32 s6, v0;
	v15 =	vor.u32 s2, v1;
	v18 =	vor.u32 s30, v0;
	v12 =	vld.idx.msk [tilespmem:v12+s15+$0x0], $0xffff  }
0xab: {  	s25 =	simm.s32 $0x100;
	s29 =	simm.s32 $0x600;
	v22 =	vor.u32 s13, v1;
	v37 =	vor.u32 s8, v1;
	v39 =	vor.u32 s6, v1;
	v19 =	vld.idx.msk [tilespmem:v16+s15+$0x0], $0xffff  }
0xac: {  	v14 =	vor.u32 s29, v0;
	v3 =	vadd.s32 s29, v2;
	v10 =	vadd.s32 s25, v2;
	s0 =	simm.s32 $0x80;
	s7 =	simm.s32 $0x480;
	v36 =	vld.idx.msk [tilespmem:v20+s15+$0x0], $0xffff  }
0xad: {  	v11 =	vadd.s32 s0, v2;
	v23 =	vor.u32 s0, v0;
	v29 =	vadd.s32 s7, v2;
	v28 =	vld.idx.msk [tilespmem:v28+s15+$0x0], $0xffff  }
0xae: {  	v34 =	vor.u32 s7, v0;
	v17 =	vor.u32 s7, v1;
	v5 =	vor.u32 s4, v0;
	v32 =	vld.idx.msk [tilespmem:v32+s15+$0x0], $0xffff  }
0xaf: {  	v7 =	vor.u32 s5, v1;
	v16 =	vor.u32 s28, v0;
	v8 =	vor.u32 s4, v1;
	v27 =	vld.idx.msk [tilespmem:v27+s15+$0x0], $0xffff  }
0xb0: {  	v26 =	vld.idx.msk [tilespmem:v26+s15+$0x0], $0xffff;
	v21 =	vshrl.u32 v35, $0x3;
	v38 =	vshrl.u32 v24, $0x3;
	v40 =	vshrl.u32 v13, $0x3  }
0xb1: {  	v41 =	vand.u32 $0x80000000, v13;
	v20 =	vshrl.u32 v30, $0x3;
	v44 =	vand.u32 $0x80000000, v12  }
0xb2: {  	v45 =	vshrl.u32 v12, $0x3;
	v46 =	vand.u32 $0x80000000, v19;
	v47 =	vshrl.u32 v19, $0x3  }
0xb3: {  	v48 =	vand.u32 $0x80000000, v36;
	v50 =	vshrl.u32 v36, $0x3;
	v62 =	vshrl.u32 v28, $0x3  }
0xb4: {  	v51 =	vand.u32 $0x80000000, v28;
	v53 =	vshrl.u32 v32, $0x3;
	v54 =	vand.u32 $0x80000000, v27  }
0xb5: {  	v55 =	vshrl.u32 v26, $0x3;
	v57 =	vand.u32 $0x80000000, v26;
	v28 =	vshll.u32 v28, $0x1D  }
0xb6: {  	v19 =	vshll.u32 v19, $0x1D;
	v12 =	vshll.u32 v12, $0x1D;
	v13 =	vshll.u32 v13, $0x1D  }
0xb7: {  	v11 =	vld.idx.msk [tilespmem:v11+s15+$0x0], $0xffff;
	v42 =	vand.u32 $0xFF00000, v40;
	v49 =	vand.u32 $0xFF00000, v45;
	v52 =	vand.u32 $0xFF00000, v62  }
0xb8: {  	v56 =	vand.u32 $0xFF00000, v50;
	v63 =	vand.u32 $0xFF00000, v55;
	v55 =	vand.u32 $0xFFFFF, v55  }
0xb9: {  	v61 =	vand.u32 $0xFFFFF, v47;
	v47 =	vand.u32 $0xFF00000, v47;
	v62 =	vand.u32 $0xFFFFF, v62;
	[tilespmem:v18+s19+$0x0] =	vst.idx.msk $0xffff, v19  }
0xba: {  	v45 =	vand.u32 $0xFFFFF, v45;
	v18 =	vor.u32 s29, v1;
	[tilespmem:v16+s19+$0x0] =	vst.idx.msk $0xffff, v12;
	v12 =	vor.u32 s25, v0  }
0xbb: {  	v16 =	vand.u32 $0xFFFFF, v20;
	v41 =	vor.u32 v41, v42;
	v42 =	vshll.u32 v24, $0x1D  }
0xbc: {  	v4 =	vld.idx.msk [tilespmem:v3+s15+$0x0], $0xffff;
	v43 =	vshrl.u32 v11, $0x3;
	v44 =	vor.u32 v44, v49;
	v48 =	vor.u32 v48, v56  }
0xbd: {  	v56 =	vor.u32 v57, v63;
	v57 =	vshrl.u32 v27, $0x3;
	v51 =	vor.u32 v51, v52  }
0xbe: {  	v46 =	vor.u32 v46, v47;
	v63 =	vand.u32 $0x80000000, v30;
	v24 =	vand.u32 $0x80000000, v24  }
0xbf: {  	v27 =	vshll.u32 v27, $0x1D;
	v52 =	vor.u32 v55, v56;
	v60 =	vand.u32 $0xFF00000, v57  }
0xc0: {  	v55 =	vand.u32 $0x80000000, v32;
	v46 =	vor.u32 v61, v46;
	v61 =	vand.u32 $0xFF00000, v53  }
0xc1: {  	v47 =	vor.u32 v62, v51;
	v51 =	vand.u32 $0x80000000, v11;
	v62 =	vshrl.u32 v4, $0x3  }
0xc2: {  	v29 =	vld.idx.msk [tilespmem:v29+s15+$0x0], $0xffff;
	v53 =	vand.u32 $0xFFFFF, v53;
	v44 =	vor.u32 v45, v44;
	v11 =	vshll.u32 v11, $0x1D  }
0xc3: {  	v54 =	vor.u32 v54, v60;
	v60 =	vand.u32 $0xFF00000, v20;
	v55 =	vor.u32 v55, v61  }
0xc4: {  	v61 =	vand.u32 $0xFF00000, v43;
	v56 =	vand.u32 $0xFFFFF, v62;
	v43 =	vand.u32 $0xFFFFF, v43  }
0xc5: {  	[tilespmem:v23+s19+$0x0] =	vst.idx.msk $0xffff, v11;
	v23 =	vor.u32 s2, v0;
	v11 =	vshll.u32 v30, $0x1D;
	v49 =	vor.u32 v63, v60  }
0xc6: {  	v63 =	vand.u32 $0x80000000, v4;
	v53 =	vor.u32 v53, v55;
	v60 =	vand.u32 $0xFF00000, v62  }
0xc7: {  	v51 =	vor.u32 v51, v61;
	v62 =	vand.u32 $0x80000000, v35;
	v61 =	vshrl.u32 v29, $0x3  }
0xc8: {  	[tilespmem:v31+s19+$0x0] =	vst.idx.msk $0xffff, v11;
	v31 =	vor.u32 s8, v0;
	v11 =	vshll.u32 v26, $0x1D;
	v26 =	vadd.s32 $0x38000000, v52  }
0xc9: {  	v45 =	vor.u32 v63, v60;
	v63 =	vand.u32 $0xFF00000, v21;
	v60 =	vand.u32 $0xFF00000, v38  }
0xca: {  	[tilespmem:v25+s19+$0x0] =	vst.idx.msk $0xffff, v42;
	v43 =	vor.u32 v43, v51;
	v38 =	vand.u32 $0xFFFFF, v38;
	v55 =	vor.u32 v62, v63  }
0xcb: {  	[tilespmem:v33+s19+$0x0] =	vst.idx.msk $0xffff, v11;
	v11 =	vld.idx.msk [tilespmem:v10+s15+$0x0], $0xffff;
	v24 =	vor.u32 v24, v60;
	v62 =	vand.u32 $0x80000000, v29;
	v63 =	vand.u32 $0xFF00000, v61  }
0xcc: {  	v60 =	vand.u32 $0xFFFFF, v61;
	[tilespmem:v39+s19+$0x0] =	vst.idx.msk $0xffff, v26;
	v26 =	vshll.u32 v29, $0x1D;
	v29 =	vor.u32 s24, v0;
	v61 =	vld.idx.msk [tilespmem:v9+s15+$0x0], $0xffff  }
0xcd: {  	v10 =	vor.u32 s0, v1;
	v45 =	vor.u32 v56, v45;
	v56 =	vor.u32 s13, v0;
	[tilespmem:v34+s19+$0x0] =	vst.idx.msk $0xffff, v26  }
0xce: {  	v9 =	vand.u32 $0xFFFFF, v40;
	v25 =	vor.u32 v62, v63;
	[tilespmem:v23+s19+$0x0] =	vst.idx.msk $0xffff, v27;
	v27 =	vshll.u32 v32, $0x1D  }
0xcf: {  	v62 =	vadd.s32 $0x38000000, v47;
	v23 =	vor.u32 s31, v1;
	[tilespmem:v31+s19+$0x0] =	vst.idx.msk $0xffff, v27;
	v27 =	vadd.s32 $0x38000000, v53  }
0xd0: {  	v31 =	vshll.u32 v36, $0x1D;
	[tilespmem:v37+s19+$0x0] =	vst.idx.msk $0xffff, v27;
	v27 =	vand.u32 $0x80000000, v11;
	v63 =	vshrl.u32 v11, $0x3  }
0xd1: {  	[tilespmem:v29+s19+$0x0] =	vst.idx.msk $0xffff, v31;
	v31 =	vor.u32 v9, v41;
	v9 =	vand.u32 $0xFF00000, v63;
	v29 =	vshrl.u32 v61, $0x3  }
0xd2: {  	[tilespmem:v56+s19+$0x0] =	vst.idx.msk $0xffff, v28;
	v27 =	vor.u32 v27, v9;
	v9 =	vand.u32 $0x80000000, v61;
	v28 =	vand.u32 $0xFF00000, v29  }
0xd3: {  	v24 =	vor.u32 v38, v24;
	[tilespmem:v22+s19+$0x0] =	vst.idx.msk $0xffff, v62;
	v22 =	vor.u32 v9, v28;
	v9 =	vadd.s32 $0x38000000, v43  }
0xd4: {  	v25 =	vor.u32 v60, v25;
	[tilespmem:v10+s19+$0x0] =	vst.idx.msk $0xffff, v9;
	v10 =	vand.u32 $0xFFFFF, v21;
	v21 =	vadd.s32 $0x38000000, v24  }
0xd5: {  	v26 =	vand.u32 $0xFFFFF, v57;
	v28 =	vor.u32 s30, v1;
	[tilespmem:v23+s19+$0x0] =	vst.idx.msk $0xffff, v21;
	v23 =	vadd.s32 $0x38000000, v25  }
0xd6: {  	v30 =	vand.u32 $0xFFFFF, v50;
	v26 =	vor.u32 v26, v54;
	[tilespmem:v17+s19+$0x0] =	vst.idx.msk $0xffff, v23;
	v17 =	vor.u32 s28, v1  }
0xd7: {  	v3 =	vor.u32 v30, v48;
	v16 =	vor.u32 v16, v49;
	v19 =	vadd.s32 $0x38000000, v26  }
0xd8: {  	v20 =	vadd.s32 $0x38000000, v45;
	[tilespmem:v15+s19+$0x0] =	vst.idx.msk $0xffff, v19;
	v15 =	vadd.s32 $0x38000000, v46;
	v19 =	vand.u32 $0xFFFFF, v63  }
0xd9: {  	v9 =	vor.u32 s26, v1;
	v23 =	vand.u32 $0xFFFFF, v29;
	v29 =	vor.u32 s23, v0  }
0xda: {  	v23 =	vor.u32 v23, v22;
	v22 =	vor.u32 s24, v1;
	[tilespmem:v28+s19+$0x0] =	vst.idx.msk $0xffff, v15;
	v15 =	vadd.s32 $0x38000000, v44  }
0xdb: {  	v21 =	vor.u32 v10, v55;
	v10 =	vor.u32 s25, v1;
	[tilespmem:v17+s19+$0x0] =	vst.idx.msk $0xffff, v15;
	v15 =	vshll.u32 v4, $0x1D  }
0xdc: {  	v25 =	vadd.s32 $0x38000000, v3;
	v17 =	vor.u32 v19, v27;
	v19 =	vadd.s32 $0x38000000, v31;
	[tilespmem:v14+s19+$0x0] =	vst.idx.msk $0xffff, v15  }
0xdd: {  	s23 =	simm.s32 $0x10;
	v15 =	vadd.s32 $0x38000000, v23;
	v14 =	vadd.s32 $0x38000000, v16;
	[tilespmem:v18+s19+$0x0] =	vst.idx.msk $0xffff, v20;
	v18 =	vshll.u32 v61, $0x1D  }
.LBB2_4:
0xde: {  	s2 =	sshll.u32 s23, $0x7;
	[tilespmem:v29+s19+$0x0] =	vst.idx.msk $0xffff, v13  }
0xdf: {  	[tilespmem:v22+s19+$0x0] =	vst.idx.msk $0xffff, v25;
	s25 =	sadd.s32 $0x280, s2  }
0xe0: {  	v11 =	vshll.u32 v11, $0x1D;
	v16 =	vadd.s32 $0x38000000, v21;
	s24 =	sadd.s32 $0x200, s2;
	[tilespmem:v59+s19+$0x0] =	vst.idx.msk $0xffff, v19;
	v21 =	vadd.s32 s25, v2  }
0xe1: {  	v3 =	vadd.s32 s2, v2;
	s1 =	sadd.s32 $0x80, s2;
	[tilespmem:v12+s19+$0x0] =	vst.idx.msk $0xffff, v11;
	v20 =	vadd.s32 s24, v2  }
0xe2: {  	v6 =	vshll.u32 v35, $0x1D;
	s26 =	sadd.s32 $0x380, s2;
	s13 =	sadd.s32 $0x580, s2;
	[tilespmem:$0x1FEF0] =	vst v3;
	v3 =	vor.u32 s2, v0;
	v23 =	vadd.s32 s1, v2  }
0xe3: {  	s5 =	sadd.s32 $0x400, s2;
	s29 =	sadd.s32 $0x680, s2;
	v32 =	vor.u32 s1, v0;
	v26 =	vadd.s32 s26, v2;
	v27 =	vadd.s32 s13, v2;
	[tilespmem:$0x1FEE0] =	vst v3  }
0xe4: {  	s4 =	sadd.s32 $0x300, s2;
	s30 =	sadd.s32 $0x700, s2;
	v28 =	vadd.s32 s5, v2;
	v38 =	vor.u32 s25, v0;
	v40 =	vadd.s32 s29, v2;
	[tilespmem:v58+s19+$0x0] =	vst.idx.msk $0xffff, v18  }
0xe5: {  	s7 =	sadd.s32 $0x500, s2;
	s31 =	sadd.s32 $0x780, s2;
	v41 =	vadd.s32 s30, v2;
	v22 =	vor.u32 s4, v0;
	[tilespmem:v5+s19+$0x0] =	vst.idx.msk $0xffff, v6;
	v25 =	vld.idx.msk [tilespmem:v21+s15+$0x0], $0xffff  }
0xe6: {  	s28 =	sadd.s32 $0x180, s2;
	s6 =	sadd.s32 $0x480, s2;
	v39 =	vadd.s32 s7, v2;
	v42 =	vor.u32 s7, v0;
	v44 =	vadd.s32 s31, v2;
	[tilespmem:v9+s19+$0x0] =	vst.idx.msk $0xffff, v15;
	v15 =	vld.idx.msk [tilespmem:v20+s15+$0x0], $0xffff  }
0xe7: {  	v17 =	vadd.s32 $0x38000000, v17;
	s8 =	sadd.s32 $0x600, s2;
	v43 =	vor.u32 s6, v0;
	v3 =	vor.u32 s28, v0;
	[tilespmem:v7+s19+$0x0] =	vst.idx.msk $0xffff, v14;
	v46 =	vld.idx.msk [tilespmem:v23+s15+$0x0], $0xffff  }
0xe8: {  	v12 =	vadd.s32 s8, v2;
	v29 =	vor.u32 s30, v1;
	v13 =	vor.u32 s30, v0;
	[tilespmem:$0x1FF60] =	vst v3;
	v27 =	vld.idx.msk [tilespmem:v27+s15+$0x0], $0xffff  }
0xe9: {  	v36 =	vor.u32 s31, v1;
	v47 =	vor.u32 s31, v0;
	v3 =	vor.u32 s8, v0;
	[tilespmem:v8+s19+$0x0] =	vst.idx.msk $0xffff, v16;
	v31 =	vld.idx.msk [tilespmem:v28+s15+$0x0], $0xffff  }
0xea: {  	s0 =	sadd.s32 $0x100, s2;
	v48 =	vor.u32 s7, v1;
	v52 =	vor.u32 s29, v0;
	[tilespmem:$0x1FF40] =	vst v3;
	v3 =	vor.u32 s4, v1;
	v53 =	vld.idx.msk [tilespmem:v26+s15+$0x0], $0xffff  }
0xeb: {  	v18 =	vadd.s32 s0, v2;
	v6 =	vadd.s32 s28, v2;
	[tilespmem:$0x1FF50] =	vst v3;
	v3 =	vor.u32 s29, v1;
	v44 =	vld.idx.msk [tilespmem:v44+s15+$0x0], $0xffff  }
0xec: {  	v5 =	vor.u32 s24, v1;
	v14 =	vor.u32 s1, v1;
	[tilespmem:$0x1FF00] =	vst v3;
	v3 =	vor.u32 s28, v1;
	v40 =	vld.idx.msk [tilespmem:v40+s15+$0x0], $0xffff  }
0xed: {  	v8 =	vadd.s32 s4, v2;
	v16 =	vadd.s32 s6, v2;
	v39 =	vld.idx.msk [tilespmem:v39+s15+$0x0], $0xffff;
	[tilespmem:$0x1FF30] =	vst v3;
	v3 =	vor.u32 s5, v1  }
0xee: {  	v21 =	vor.u32 s5, v0;
	[tilespmem:$0x1FF10] =	vst v3;
	v3 =	vor.u32 s0, v1;
	v34 =	vshrl.u32 v25, $0x3  }
0xef: {  	v23 =	vand.u32 $0x80000000, v15;
	v49 =	vshrl.u32 v15, $0x3;
	v54 =	vshll.u32 v46, $0x1D  }
0xf0: {  	v55 =	vand.u32 $0x80000000, v27;
	v56 =	vshrl.u32 v27, $0x3;
	v57 =	vand.u32 $0x80000000, v31  }
0xf1: {  	v35 =	vld.idx.msk [tilespmem:v6+s15+$0x0], $0xffff;
	v58 =	vshrl.u32 v31, $0x3;
	v60 =	vand.u32 $0x80000000, v53;
	v61 =	vshrl.u32 v53, $0x3  }
0xf2: {  	[tilespmem:v10+s19+$0x0] =	vst.idx.msk $0xffff, v17;
	v24 =	vld.idx.msk [tilespmem:v12+s15+$0x0], $0xffff;
	v4 =	vshrl.u32 v44, $0x3;
	v7 =	vshrl.u32 v40, $0x3;
	v9 =	vand.u32 $0x80000000, v39  }
0xf3: {  	v10 =	vshrl.u32 v39, $0x3;
	v50 =	vand.u32 $0xFF00000, v49;
	[tilespmem:v32+s19+$0x0] =	vst.idx.msk $0xffff, v54;
	v32 =	vand.u32 $0xFFFFF, v49  }
0xf4: {  	v45 =	vld.idx.msk [tilespmem:v8+s15+$0x0], $0xffff;
	v62 =	vand.u32 $0xFF00000, v56;
	v56 =	vand.u32 $0xFFFFF, v56;
	v8 =	vand.u32 $0xFFFFF, v58  }
0xf5: {  	v37 =	vld.idx.msk [tilespmem:v16+s15+$0x0], $0xffff;
	v30 =	vand.u32 $0xFF00000, v61;
	v6 =	vand.u32 $0xFF00000, v10;
	v10 =	vand.u32 $0xFFFFF, v10  }
0xf6: {  	v58 =	vand.u32 $0xFF00000, v58;
	v33 =	vshrl.u32 v35, $0x3;
	v28 =	vor.u32 v23, v50  }
0xf7: {  	v23 =	vshll.u32 v25, $0x1D;
	v50 =	vand.u32 $0x80000000, v24;
	v55 =	vor.u32 v55, v62  }
0xf8: {  	v30 =	vor.u32 v60, v30;
	v6 =	vor.u32 v9, v6;
	v9 =	vshll.u32 v39, $0x1D  }
0xf9: {  	v25 =	vand.u32 $0x80000000, v25;
	v51 =	vshrl.u32 v45, $0x3;
	v59 =	vshll.u32 v45, $0x1D  }
0xfa: {  	[tilespmem:v38+s19+$0x0] =	vst.idx.msk $0xffff, v23;
	v38 =	vld.idx.msk [tilespmem:v41+s15+$0x0], $0xffff;
	v41 =	vshrl.u32 v46, $0x3;
	v49 =	vshrl.u32 v37, $0x3;
	v46 =	vand.u32 $0x80000000, v46  }
0xfb: {  	v6 =	vor.u32 v10, v6;
	v10 =	vand.u32 $0x80000000, v44;
	v60 =	vshll.u32 v37, $0x1D  }
0xfc: {  	[tilespmem:v42+s19+$0x0] =	vst.idx.msk $0xffff, v9;
	v9 =	vand.u32 $0xFF00000, v7;
	v42 =	vand.u32 $0xFFFFF, v61;
	v7 =	vand.u32 $0xFFFFF, v7  }
0xfd: {  	v45 =	vand.u32 $0x80000000, v45;
	v44 =	vshll.u32 v44, $0x1D;
	[tilespmem:v22+s19+$0x0] =	vst.idx.msk $0xffff, v59;
	v22 =	vshrl.u32 v24, $0x3  }
0xfe: {  	v54 =	vand.u32 $0xFF00000, v41;
	v6 =	vadd.s32 $0x38000000, v6;
	v61 =	vand.u32 $0xFF00000, v51  }
0xff: {  	v19 =	vmovc v5;
	[tilespmem:v43+s19+$0x0] =	vst.idx.msk $0xffff, v60;
	v43 =	vor.u32 s25, v1;
	v59 =	vand.u32 $0xFFFFF, v22;
	v5 =	vand.u32 $0xFF00000, v22  }
0x100: {  	v22 =	vand.u32 $0x80000000, v40;
	v39 =	vor.u32 v45, v61;
	v61 =	vand.u32 $0x80000000, v35  }
0x101: {  	[tilespmem:v48+s19+$0x0] =	vst.idx.msk $0xffff, v6;
	v6 =	vor.u32 v22, v9;
	v9 =	vand.u32 $0xFFFFF, v49;
	v5 =	vor.u32 v50, v5  }
0x102: {  	v22 =	vand.u32 $0xFF00000, v4;
	v4 =	vand.u32 $0xFFFFF, v4;
	v5 =	vor.u32 v59, v5;
	v59 =	vmovc v19;
	v19 =	vld [tilespmem:$0x1FEF0]  }
0x103: {  	v10 =	vor.u32 v10, v22;
	v6 =	vor.u32 v7, v6;
	v7 =	vshll.u32 v31, $0x1D  }
0x104: {  	v62 =	vand.u32 $0x80000000, v38;
	v63 =	vshrl.u32 v38, $0x3;
	v4 =	vor.u32 v4, v10  }
0x105: {  	[tilespmem:$0x1FF20] =	vst v3;
	v38 =	vshll.u32 v38, $0x1D;
	v3 =	vand.u32 $0xFF00000, v63;
	v60 =	vand.u32 $0xFFFFF, v63  }
0x106: {  	[tilespmem:v47+s19+$0x0] =	vst.idx.msk $0xffff, v44;
	v4 =	vadd.s32 $0x38000000, v4;
	v3 =	vor.u32 v62, v3;
	v62 =	vor.u32 v57, v58  }
0x107: {  	[tilespmem:v36+s19+$0x0] =	vst.idx.msk $0xffff, v4;
	v4 =	vand.u32 $0xFFFFF, v41;
	v3 =	vor.u32 v60, v3;
	v60 =	vor.u32 v46, v54  }
0x108: {  	v8 =	vor.u32 v8, v62;
	v62 =	vor.u32 s26, v0;
	v4 =	vor.u32 v4, v60  }
0x109: {  	v11 =	vld.idx.msk [tilespmem:v18+s15+$0x0], $0xffff;
	v63 =	vor.u32 v56, v55;
	[tilespmem:v13+s19+$0x0] =	vst.idx.msk $0xffff, v38;
	v13 =	vand.u32 $0xFF00000, v33;
	v4 =	vadd.s32 $0x38000000, v4  }
0x10a: {  	v10 =	vadd.s32 $0x38000000, v63;
	v3 =	vadd.s32 $0x38000000, v3;
	[tilespmem:v14+s19+$0x0] =	vst.idx.msk $0xffff, v4;
	v14 =	vor.u32 v32, v28;
	v63 =	vld.idx.msk [tilespmem:v19+s15+$0x0], $0xffff  }
0x10b: {  	[tilespmem:v29+s19+$0x0] =	vst.idx.msk $0xffff, v3;
	v3 =	vor.u32 v61, v13;
	v13 =	vand.u32 $0xFF00000, v34;
	v19 =	vadd.s32 $0x38000000, v14;
	v14 =	vld [tilespmem:$0x1FF10]  }
0x10c: {  	v55 =	vshll.u32 v53, $0x1D;
	v34 =	vand.u32 $0xFFFFF, v34;
	v13 =	vor.u32 v25, v13  }
0x10d: {  	v57 =	vand.u32 $0x80000000, v37;
	v13 =	vor.u32 v34, v13;
	[tilespmem:v62+s19+$0x0] =	vst.idx.msk $0xffff, v55;
	v62 =	vand.u32 $0xFF00000, v49  }
0x10e: {  	v4 =	vadd.s32 $0x38000000, v13;
	v13 =	vor.u32 v42, v30;
	v25 =	vor.u32 v57, v62  }
0x10f: {  	[tilespmem:v21+s19+$0x0] =	vst.idx.msk $0xffff, v7;
	v9 =	vor.u32 v9, v25;
	v25 =	vadd.s32 $0x38000000, v13;
	v13 =	vshrl.u32 v11, $0x3  }
0x110: {  	[tilespmem:v43+s19+$0x0] =	vst.idx.msk $0xffff, v4;
	v4 =	vadd.s32 $0x38000000, v9;
	v9 =	vand.u32 $0x80000000, v11;
	v7 =	vand.u32 $0xFF00000, v13  }
0x111: {  	v17 =	vor.u32 s6, v1;
	v7 =	vor.u32 v9, v7;
	v9 =	vld [tilespmem:$0x1FF00]  }
0x112: {  	v20 =	vor.u32 s13, v0;
	v8 =	vadd.s32 $0x38000000, v8  }
0x113: {  	v26 =	vor.u32 s13, v1;
	[tilespmem:v14+s19+$0x0] =	vst.idx.msk $0xffff, v8;
	v14 =	vld [tilespmem:$0x1FF40]  }
0x114: {  	v12 =	vor.u32 s0, v0;
	v40 =	vshll.u32 v40, $0x1D  }
0x115: {  	v18 =	vor.u32 s2, v1;
	v16 =	vor.u32 s8, v1;
	v23 =	vand.u32 $0xFFFFF, v51;
	[tilespmem:v52+s19+$0x0] =	vst.idx.msk $0xffff, v40  }
0x116: {  	v22 =	vor.u32 s26, v1;
	v5 =	vadd.s32 $0x38000000, v5;
	[tilespmem:v17+s19+$0x0] =	vst.idx.msk $0xffff, v4;
	v4 =	vshll.u32 v27, $0x1D  }
0x117: {  	p0 =	slt.u32 s23, $0x70;
	v6 =	vadd.s32 $0x38000000, v6;
	v33 =	vand.u32 $0xFFFFF, v33;
	v29 =	vor.u32 s24, v0;
	[tilespmem:v20+s19+$0x0] =	vst.idx.msk $0xffff, v4  }
.Ltmp1:
0x118: {  	v58 =	vld [tilespmem:$0x1FEE0];
	v21 =	vor.u32 v33, v3;
	v27 =	vand.u32 $0xFFFFF, v13;
	v20 =	vshrl.u32 v63, $0x3;
	[tilespmem:v26+s19+$0x0] =	vst.idx.msk $0xffff, v10;
	(pc) =	sbr.rel @p0 .LBB2_4-.Ltmp1, $4  }
0x119: {  	v4 =	vshll.u32 v24, $0x1D;
	v17 =	vand.u32 $0xFF00000, v20;
	v10 =	vld [tilespmem:$0x1FF20];
	[tilespmem:v9+s19+$0x0] =	vst.idx.msk $0xffff, v6;
	v6 =	vand.u32 $0x80000000, v63  }
0x11a: {  	v8 =	vand.u32 $0xFFFFF, v20;
	v6 =	vor.u32 v6, v17;
	v17 =	vor.u32 v27, v7;
	v7 =	vld [tilespmem:$0x1FF50]  }
0x11b: {  	v13 =	vshll.u32 v15, $0x1D;
	v3 =	vor.u32 v8, v6;
	v8 =	vld [tilespmem:$0x1FF30];
	v6 =	vor.u32 v23, v39;
	[tilespmem:v14+s19+$0x0] =	vst.idx.msk $0xffff, v4  }
0x11c: {  	s23 =	sadd.s32 $0x10, s23;
	v9 =	vmovc v18;
	v18 =	vshll.u32 v63, $0x1D;
	v15 =	vadd.s32 $0x38000000, v3;
	v14 =	vadd.s32 $0x38000000, v6;
	[tilespmem:v16+s19+$0x0] =	vst.idx.msk $0xffff, v5;
	v5 =	vld [tilespmem:$0x1FF60]  }
0x11d: {  	_ =	sdelay $0x3  }
0x11e: {  	[tilespmem:v29+s19+$0x0] =	vst.idx.msk $0xffff, v13  }
0x11f: {  	[tilespmem:v58+s19+$0x0] =	vst.idx.msk $0xffff, v18  }
0x120: {  	[tilespmem:v22+s19+$0x0] =	vst.idx.msk $0xffff, v25  }
0x121: {  	[tilespmem:v59+s19+$0x0] =	vst.idx.msk $0xffff, v19  }
0x122: {  	[tilespmem:v9+s19+$0x0] =	vst.idx.msk $0xffff, v15  }
0x123: {  	v3 =	vshll.u32 v35, $0x1D;
	[tilespmem:v7+s19+$0x0] =	vst.idx.msk $0xffff, v14  }
0x124: {  	[tilespmem:v5+s19+$0x0] =	vst.idx.msk $0xffff, v3;
	v3 =	vadd.s32 $0x38000000, v21  }
0x125: {  	[tilespmem:v8+s19+$0x0] =	vst.idx.msk $0xffff, v3;
	v3 =	vshll.u32 v11, $0x1D  }
0x126: {  	v4 =	vadd.s32 $0x38000000, v17;
	[tilespmem:v12+s19+$0x0] =	vst.idx.msk $0xffff, v3  }
0x127: {  	[tilespmem:v10+s19+$0x0] =	vst.idx.msk $0xffff, v4  }
0x128: {  	s0 =	simm.s32 $0x0;
	s1 =	rddreg [dreg:$0x7]  }
0x129: {  	[hbm4b:s1+s0] =	stream.linear.scatter [tilespmem:s19], [sflag:$0x4], $0x4000, $0x38;
	[tilespmem:$0x10080] =	vst v63  }
0x12a: {  	_ = 	snop  }
0x12b: {  	[tilespmem:s15], [sflag:$0x2] =	stream.linear.gather [hbm4b:s9+s0], $0x4000, $0x38;
	[tilespmem:$0x10080] =	vst v63  }
0x12c: {  	s4 =	simm.s32 $0x180;
	_ =	swait.ge [sflag:s16], $0x4000  }
0x12d: {  	s30 =	simm.s32 $0x280;
	v4 =	vadd.s32 s4, v2;
	[sflag:s16] =	ssyncset.done $0x0  }
0x12e: {  	s23 =	simm.s32 $0x200;
	v5 =	vadd.s32 s30, v2;
	[sflag:s16] =	ssyncadd.s32 $0xFFFFC000  }
0x12f: {  	s5 =	simm.s32 $0x300;
	v7 =	vadd.s32 s23, v2;
	_ =	swait.ge [sflag:s20], $0x4000  }
0x130: {  	v8 =	vadd.s32 s5, v2;
	s0 =	simm.s32 $0x80;
	[sflag:s20] =	ssyncset.done $0x0  }
0x131: {  	s28 =	simm.s32 $0x580;
	v11 =	vadd.s32 s0, v2;
	[sflag:s20] =	ssyncadd.s32 $0xFFFFC000  }
0x132: {  	s31 =	simm.s32 $0x400;
	v12 =	vadd.s32 s28, v2;
	v35 =	vld.idx.msk [tilespmem:v4+s3+$0x0], $0xffff  }
0x133: {  	s26 =	simm.s32 $0x0;
	s24 =	simm.s32 $0x380;
	v16 =	vadd.s32 s31, v2;
	v24 =	vld.idx.msk [tilespmem:v5+s3+$0x0], $0xffff  }
0x134: {  	s13 =	simm.s32 $0x700;
	v9 =	vadd.s32 s26, v2;
	v58 =	vor.u32 s26, v0;
	v20 =	vadd.s32 s24, v2;
	v13 =	vld.idx.msk [tilespmem:v7+s3+$0x0], $0xffff  }
0x135: {  	s6 =	simm.s32 $0x500;
	s2 =	simm.s32 $0x680;
	s8 =	simm.s32 $0x780;
	v59 =	vor.u32 s23, v1;
	v25 =	vor.u32 s30, v0;
	v28 =	vadd.s32 s13, v2;
	v30 =	vld.idx.msk [tilespmem:v8+s3+$0x0], $0xffff  }
0x136: {  	s7 =	simm.s32 $0x480;
	v26 =	vadd.s32 s6, v2;
	v27 =	vadd.s32 s2, v2;
	v32 =	vadd.s32 s8, v2;
	v11 =	vld.idx.msk [tilespmem:v11+s3+$0x0], $0xffff  }
0x137: {  	v29 =	vadd.s32 s7, v2;
	v31 =	vor.u32 s5, v0;
	v33 =	vor.u32 s6, v0;
	v12 =	vld.idx.msk [tilespmem:v12+s3+$0x0], $0xffff  }
0x138: {  	v34 =	vor.u32 s7, v0;
	v17 =	vor.u32 s7, v1;
	v15 =	vor.u32 s2, v1;
	v19 =	vld.idx.msk [tilespmem:v16+s3+$0x0], $0xffff  }
0x139: {  	s29 =	simm.s32 $0x600;
	v18 =	vor.u32 s31, v0;
	v22 =	vor.u32 s13, v1;
	v37 =	vor.u32 s8, v1;
	v36 =	vld.idx.msk [tilespmem:v20+s3+$0x0], $0xffff  }
0x13a: {  	s25 =	simm.s32 $0x100;
	v39 =	vor.u32 s6, v1;
	v14 =	vor.u32 s29, v0;
	v3 =	vadd.s32 s29, v2;
	v28 =	vld.idx.msk [tilespmem:v28+s3+$0x0], $0xffff  }
0x13b: {  	v10 =	vadd.s32 s25, v2;
	v23 =	vor.u32 s0, v0;
	v5 =	vor.u32 s4, v0;
	v32 =	vld.idx.msk [tilespmem:v32+s3+$0x0], $0xffff  }
0x13c: {  	v7 =	vor.u32 s5, v1;
	v16 =	vor.u32 s28, v0;
	v8 =	vor.u32 s4, v1;
	v27 =	vld.idx.msk [tilespmem:v27+s3+$0x0], $0xffff  }
0x13d: {  	v26 =	vld.idx.msk [tilespmem:v26+s3+$0x0], $0xffff;
	v21 =	vshrl.u32 v35, $0x3;
	v38 =	vshrl.u32 v24, $0x3;
	v40 =	vshrl.u32 v13, $0x3  }
0x13e: {  	v41 =	vand.u32 $0x80000000, v13;
	v20 =	vshrl.u32 v30, $0x3;
	v43 =	vshrl.u32 v11, $0x3  }
0x13f: {  	v44 =	vand.u32 $0x80000000, v12;
	v45 =	vshrl.u32 v12, $0x3;
	v46 =	vand.u32 $0x80000000, v19  }
0x140: {  	v47 =	vshrl.u32 v19, $0x3;
	v48 =	vand.u32 $0x80000000, v36;
	v50 =	vshrl.u32 v36, $0x3  }
0x141: {  	v62 =	vshrl.u32 v28, $0x3;
	v51 =	vand.u32 $0x80000000, v28;
	v53 =	vshrl.u32 v32, $0x3  }
0x142: {  	v54 =	vand.u32 $0x80000000, v27;
	v55 =	vshrl.u32 v26, $0x3;
	v57 =	vand.u32 $0x80000000, v26  }
0x143: {  	v28 =	vshll.u32 v28, $0x1D;
	v19 =	vshll.u32 v19, $0x1D;
	v12 =	vshll.u32 v12, $0x1D  }
0x144: {  	v13 =	vshll.u32 v13, $0x1D;
	v42 =	vand.u32 $0xFF00000, v40;
	v49 =	vand.u32 $0xFF00000, v45  }
0x145: {  	v52 =	vand.u32 $0xFF00000, v62;
	v56 =	vand.u32 $0xFF00000, v50;
	v63 =	vand.u32 $0xFF00000, v55  }
0x146: {  	v55 =	vand.u32 $0xFFFFF, v55;
	v61 =	vand.u32 $0xFFFFF, v47;
	v47 =	vand.u32 $0xFF00000, v47  }
0x147: {  	v62 =	vand.u32 $0xFFFFF, v62;
	v45 =	vand.u32 $0xFFFFF, v45;
	[tilespmem:v18+s17+$0x0] =	vst.idx.msk $0xffff, v19;
	v18 =	vor.u32 s29, v1  }
0x148: {  	[tilespmem:v16+s17+$0x0] =	vst.idx.msk $0xffff, v12;
	v12 =	vor.u32 s25, v0;
	v16 =	vand.u32 $0xFFFFF, v20;
	v41 =	vor.u32 v41, v42  }
0x149: {  	v4 =	vld.idx.msk [tilespmem:v3+s3+$0x0], $0xffff;
	v42 =	vshll.u32 v24, $0x1D;
	v44 =	vor.u32 v44, v49;
	v48 =	vor.u32 v48, v56  }
0x14a: {  	v56 =	vor.u32 v57, v63;
	v57 =	vshrl.u32 v27, $0x3;
	v51 =	vor.u32 v51, v52  }
0x14b: {  	v46 =	vor.u32 v46, v47;
	v63 =	vand.u32 $0x80000000, v30;
	v24 =	vand.u32 $0x80000000, v24  }
0x14c: {  	v27 =	vshll.u32 v27, $0x1D;
	v52 =	vor.u32 v55, v56;
	v60 =	vand.u32 $0xFF00000, v57  }
0x14d: {  	v55 =	vand.u32 $0x80000000, v32;
	v46 =	vor.u32 v61, v46;
	v61 =	vand.u32 $0xFF00000, v53  }
0x14e: {  	v47 =	vor.u32 v62, v51;
	v51 =	vand.u32 $0x80000000, v11;
	v62 =	vshrl.u32 v4, $0x3  }
0x14f: {  	v29 =	vld.idx.msk [tilespmem:v29+s3+$0x0], $0xffff;
	v53 =	vand.u32 $0xFFFFF, v53;
	v44 =	vor.u32 v45, v44;
	v11 =	vshll.u32 v11, $0x1D  }
0x150: {  	v54 =	vor.u32 v54, v60;
	v60 =	vand.u32 $0xFF00000, v20;
	v55 =	vor.u32 v55, v61  }
0x151: {  	v61 =	vand.u32 $0xFF00000, v43;
	v56 =	vand.u32 $0xFFFFF, v62;
	v43 =	vand.u32 $0xFFFFF, v43  }
0x152: {  	[tilespmem:v23+s17+$0x0] =	vst.idx.msk $0xffff, v11;
	v23 =	vor.u32 s2, v0;
	v11 =	vshll.u32 v30, $0x1D;
	v49 =	vor.u32 v63, v60  }
0x153: {  	v63 =	vand.u32 $0x80000000, v4;
	v53 =	vor.u32 v53, v55;
	v60 =	vand.u32 $0xFF00000, v62  }
0x154: {  	v51 =	vor.u32 v51, v61;
	v62 =	vand.u32 $0x80000000, v35;
	v61 =	vshrl.u32 v29, $0x3  }
0x155: {  	[tilespmem:v31+s17+$0x0] =	vst.idx.msk $0xffff, v11;
	v31 =	vor.u32 s8, v0;
	v11 =	vshll.u32 v26, $0x1D;
	v26 =	vadd.s32 $0x38000000, v52  }
0x156: {  	v45 =	vor.u32 v63, v60;
	v63 =	vand.u32 $0xFF00000, v21;
	v60 =	vand.u32 $0xFF00000, v38  }
0x157: {  	[tilespmem:v25+s17+$0x0] =	vst.idx.msk $0xffff, v42;
	v43 =	vor.u32 v43, v51;
	v38 =	vand.u32 $0xFFFFF, v38;
	v55 =	vor.u32 v62, v63  }
0x158: {  	[tilespmem:v33+s17+$0x0] =	vst.idx.msk $0xffff, v11;
	v11 =	vld.idx.msk [tilespmem:v10+s3+$0x0], $0xffff;
	v24 =	vor.u32 v24, v60;
	v62 =	vand.u32 $0x80000000, v29;
	v63 =	vand.u32 $0xFF00000, v61  }
0x159: {  	v60 =	vand.u32 $0xFFFFF, v61;
	[tilespmem:v39+s17+$0x0] =	vst.idx.msk $0xffff, v26;
	v26 =	vshll.u32 v29, $0x1D;
	v29 =	vor.u32 s24, v0;
	v61 =	vld.idx.msk [tilespmem:v9+s3+$0x0], $0xffff  }
0x15a: {  	v10 =	vor.u32 s0, v1;
	v45 =	vor.u32 v56, v45;
	v56 =	vor.u32 s13, v0;
	[tilespmem:v34+s17+$0x0] =	vst.idx.msk $0xffff, v26  }
0x15b: {  	v9 =	vand.u32 $0xFFFFF, v40;
	v25 =	vor.u32 v62, v63;
	[tilespmem:v23+s17+$0x0] =	vst.idx.msk $0xffff, v27;
	v27 =	vshll.u32 v32, $0x1D  }
0x15c: {  	v62 =	vadd.s32 $0x38000000, v47;
	v23 =	vor.u32 s30, v1;
	[tilespmem:v31+s17+$0x0] =	vst.idx.msk $0xffff, v27;
	v27 =	vadd.s32 $0x38000000, v53  }
0x15d: {  	v31 =	vshll.u32 v36, $0x1D;
	[tilespmem:v37+s17+$0x0] =	vst.idx.msk $0xffff, v27;
	v27 =	vand.u32 $0x80000000, v11;
	v63 =	vshrl.u32 v11, $0x3  }
0x15e: {  	[tilespmem:v29+s17+$0x0] =	vst.idx.msk $0xffff, v31;
	v31 =	vor.u32 v9, v41;
	v9 =	vand.u32 $0xFF00000, v63;
	v29 =	vshrl.u32 v61, $0x3  }
0x15f: {  	[tilespmem:v56+s17+$0x0] =	vst.idx.msk $0xffff, v28;
	v27 =	vor.u32 v27, v9;
	v9 =	vand.u32 $0x80000000, v61;
	v28 =	vand.u32 $0xFF00000, v29  }
0x160: {  	v24 =	vor.u32 v38, v24;
	[tilespmem:v22+s17+$0x0] =	vst.idx.msk $0xffff, v62;
	v22 =	vor.u32 v9, v28;
	v9 =	vadd.s32 $0x38000000, v43  }
0x161: {  	v25 =	vor.u32 v60, v25;
	[tilespmem:v10+s17+$0x0] =	vst.idx.msk $0xffff, v9;
	v10 =	vand.u32 $0xFFFFF, v21;
	v21 =	vadd.s32 $0x38000000, v24  }
0x162: {  	v26 =	vand.u32 $0xFFFFF, v57;
	v28 =	vor.u32 s31, v1;
	[tilespmem:v23+s17+$0x0] =	vst.idx.msk $0xffff, v21;
	v23 =	vadd.s32 $0x38000000, v25  }
0x163: {  	v30 =	vand.u32 $0xFFFFF, v50;
	v26 =	vor.u32 v26, v54;
	[tilespmem:v17+s17+$0x0] =	vst.idx.msk $0xffff, v23;
	v17 =	vor.u32 s28, v1  }
0x164: {  	v3 =	vor.u32 v30, v48;
	v16 =	vor.u32 v16, v49;
	v19 =	vadd.s32 $0x38000000, v26  }
0x165: {  	v20 =	vadd.s32 $0x38000000, v45;
	[tilespmem:v15+s17+$0x0] =	vst.idx.msk $0xffff, v19;
	v15 =	vadd.s32 $0x38000000, v46;
	v19 =	vand.u32 $0xFFFFF, v63  }
0x166: {  	v9 =	vor.u32 s26, v1;
	v23 =	vand.u32 $0xFFFFF, v29;
	v29 =	vor.u32 s23, v0  }
0x167: {  	v23 =	vor.u32 v23, v22;
	v22 =	vor.u32 s24, v1;
	[tilespmem:v28+s17+$0x0] =	vst.idx.msk $0xffff, v15;
	v15 =	vadd.s32 $0x38000000, v44  }
0x168: {  	v21 =	vor.u32 v10, v55;
	v10 =	vor.u32 s25, v1;
	[tilespmem:v17+s17+$0x0] =	vst.idx.msk $0xffff, v15;
	v15 =	vshll.u32 v4, $0x1D  }
0x169: {  	v25 =	vadd.s32 $0x38000000, v3;
	v17 =	vor.u32 v19, v27;
	v19 =	vadd.s32 $0x38000000, v31;
	[tilespmem:v14+s17+$0x0] =	vst.idx.msk $0xffff, v15  }
0x16a: {  	s23 =	simm.s32 $0x10;
	v15 =	vadd.s32 $0x38000000, v23;
	v14 =	vadd.s32 $0x38000000, v16;
	[tilespmem:v18+s17+$0x0] =	vst.idx.msk $0xffff, v20;
	v18 =	vshll.u32 v61, $0x1D  }
.LBB2_6:
0x16b: {  	s2 =	sshll.u32 s23, $0x7;
	[tilespmem:v29+s17+$0x0] =	vst.idx.msk $0xffff, v13  }
0x16c: {  	[tilespmem:v22+s17+$0x0] =	vst.idx.msk $0xffff, v25;
	s25 =	sadd.s32 $0x280, s2  }
0x16d: {  	v11 =	vshll.u32 v11, $0x1D;
	v16 =	vadd.s32 $0x38000000, v21;
	s24 =	sadd.s32 $0x200, s2;
	[tilespmem:v59+s17+$0x0] =	vst.idx.msk $0xffff, v19;
	v21 =	vadd.s32 s25, v2  }
0x16e: {  	v3 =	vadd.s32 s2, v2;
	s1 =	sadd.s32 $0x80, s2;
	[tilespmem:v12+s17+$0x0] =	vst.idx.msk $0xffff, v11;
	v20 =	vadd.s32 s24, v2  }
0x16f: {  	v6 =	vshll.u32 v35, $0x1D;
	s26 =	sadd.s32 $0x380, s2;
	s13 =	sadd.s32 $0x580, s2;
	[tilespmem:$0x1FE60] =	vst v3;
	v3 =	vor.u32 s2, v0;
	v23 =	vadd.s32 s1, v2  }
0x170: {  	s5 =	sadd.s32 $0x400, s2;
	s29 =	sadd.s32 $0x680, s2;
	v32 =	vor.u32 s1, v0;
	v26 =	vadd.s32 s26, v2;
	v27 =	vadd.s32 s13, v2;
	[tilespmem:$0x1FE50] =	vst v3  }
0x171: {  	s4 =	sadd.s32 $0x300, s2;
	s30 =	sadd.s32 $0x700, s2;
	v28 =	vadd.s32 s5, v2;
	v38 =	vor.u32 s25, v0;
	v40 =	vadd.s32 s29, v2;
	[tilespmem:v58+s17+$0x0] =	vst.idx.msk $0xffff, v18  }
0x172: {  	s7 =	sadd.s32 $0x500, s2;
	s31 =	sadd.s32 $0x780, s2;
	v41 =	vadd.s32 s30, v2;
	v22 =	vor.u32 s4, v0;
	[tilespmem:v5+s17+$0x0] =	vst.idx.msk $0xffff, v6;
	v25 =	vld.idx.msk [tilespmem:v21+s3+$0x0], $0xffff  }
0x173: {  	s28 =	sadd.s32 $0x180, s2;
	s6 =	sadd.s32 $0x480, s2;
	v39 =	vadd.s32 s7, v2;
	v42 =	vor.u32 s7, v0;
	v44 =	vadd.s32 s31, v2;
	[tilespmem:v9+s17+$0x0] =	vst.idx.msk $0xffff, v15;
	v15 =	vld.idx.msk [tilespmem:v20+s3+$0x0], $0xffff  }
0x174: {  	v17 =	vadd.s32 $0x38000000, v17;
	s8 =	sadd.s32 $0x600, s2;
	v43 =	vor.u32 s6, v0;
	v3 =	vor.u32 s28, v0;
	[tilespmem:v7+s17+$0x0] =	vst.idx.msk $0xffff, v14;
	v46 =	vld.idx.msk [tilespmem:v23+s3+$0x0], $0xffff  }
0x175: {  	v12 =	vadd.s32 s8, v2;
	v29 =	vor.u32 s30, v1;
	v13 =	vor.u32 s30, v0;
	[tilespmem:$0x1FED0] =	vst v3;
	v27 =	vld.idx.msk [tilespmem:v27+s3+$0x0], $0xffff  }
0x176: {  	v36 =	vor.u32 s31, v1;
	v47 =	vor.u32 s31, v0;
	v3 =	vor.u32 s8, v0;
	[tilespmem:v8+s17+$0x0] =	vst.idx.msk $0xffff, v16;
	v31 =	vld.idx.msk [tilespmem:v28+s3+$0x0], $0xffff  }
0x177: {  	s0 =	sadd.s32 $0x100, s2;
	v48 =	vor.u32 s7, v1;
	v52 =	vor.u32 s29, v0;
	[tilespmem:$0x1FEB0] =	vst v3;
	v3 =	vor.u32 s4, v1;
	v53 =	vld.idx.msk [tilespmem:v26+s3+$0x0], $0xffff  }
0x178: {  	v18 =	vadd.s32 s0, v2;
	v6 =	vadd.s32 s28, v2;
	[tilespmem:$0x1FEC0] =	vst v3;
	v3 =	vor.u32 s29, v1;
	v44 =	vld.idx.msk [tilespmem:v44+s3+$0x0], $0xffff  }
0x179: {  	v5 =	vor.u32 s24, v1;
	v14 =	vor.u32 s1, v1;
	[tilespmem:$0x1FE70] =	vst v3;
	v3 =	vor.u32 s28, v1;
	v40 =	vld.idx.msk [tilespmem:v40+s3+$0x0], $0xffff  }
0x17a: {  	v8 =	vadd.s32 s4, v2;
	v16 =	vadd.s32 s6, v2;
	v39 =	vld.idx.msk [tilespmem:v39+s3+$0x0], $0xffff;
	[tilespmem:$0x1FEA0] =	vst v3;
	v3 =	vor.u32 s5, v1  }
0x17b: {  	v21 =	vor.u32 s5, v0;
	[tilespmem:$0x1FE80] =	vst v3;
	v3 =	vor.u32 s0, v1;
	v34 =	vshrl.u32 v25, $0x3  }
0x17c: {  	v23 =	vand.u32 $0x80000000, v15;
	v49 =	vshrl.u32 v15, $0x3;
	v54 =	vshll.u32 v46, $0x1D  }
0x17d: {  	v55 =	vand.u32 $0x80000000, v27;
	v56 =	vshrl.u32 v27, $0x3;
	v57 =	vand.u32 $0x80000000, v31  }
0x17e: {  	v35 =	vld.idx.msk [tilespmem:v6+s3+$0x0], $0xffff;
	v58 =	vshrl.u32 v31, $0x3;
	v60 =	vand.u32 $0x80000000, v53;
	v61 =	vshrl.u32 v53, $0x3  }
0x17f: {  	[tilespmem:v10+s17+$0x0] =	vst.idx.msk $0xffff, v17;
	v24 =	vld.idx.msk [tilespmem:v12+s3+$0x0], $0xffff;
	v4 =	vshrl.u32 v44, $0x3;
	v7 =	vshrl.u32 v40, $0x3;
	v9 =	vand.u32 $0x80000000, v39  }
0x180: {  	v10 =	vshrl.u32 v39, $0x3;
	v50 =	vand.u32 $0xFF00000, v49;
	[tilespmem:v32+s17+$0x0] =	vst.idx.msk $0xffff, v54;
	v32 =	vand.u32 $0xFFFFF, v49  }
0x181: {  	v45 =	vld.idx.msk [tilespmem:v8+s3+$0x0], $0xffff;
	v62 =	vand.u32 $0xFF00000, v56;
	v56 =	vand.u32 $0xFFFFF, v56;
	v8 =	vand.u32 $0xFFFFF, v58  }
0x182: {  	v37 =	vld.idx.msk [tilespmem:v16+s3+$0x0], $0xffff;
	v30 =	vand.u32 $0xFF00000, v61;
	v6 =	vand.u32 $0xFF00000, v10;
	v10 =	vand.u32 $0xFFFFF, v10  }
0x183: {  	v58 =	vand.u32 $0xFF00000, v58;
	v33 =	vshrl.u32 v35, $0x3;
	v28 =	vor.u32 v23, v50  }
0x184: {  	v23 =	vshll.u32 v25, $0x1D;
	v50 =	vand.u32 $0x80000000, v24;
	v55 =	vor.u32 v55, v62  }
0x185: {  	v30 =	vor.u32 v60, v30;
	v6 =	vor.u32 v9, v6;
	v9 =	vshll.u32 v39, $0x1D  }
0x186: {  	v25 =	vand.u32 $0x80000000, v25;
	v51 =	vshrl.u32 v45, $0x3;
	v59 =	vshll.u32 v45, $0x1D  }
0x187: {  	[tilespmem:v38+s17+$0x0] =	vst.idx.msk $0xffff, v23;
	v38 =	vld.idx.msk [tilespmem:v41+s3+$0x0], $0xffff;
	v41 =	vshrl.u32 v46, $0x3;
	v49 =	vshrl.u32 v37, $0x3;
	v46 =	vand.u32 $0x80000000, v46  }
0x188: {  	v6 =	vor.u32 v10, v6;
	v10 =	vand.u32 $0x80000000, v44;
	v60 =	vshll.u32 v37, $0x1D  }
0x189: {  	[tilespmem:v42+s17+$0x0] =	vst.idx.msk $0xffff, v9;
	v9 =	vand.u32 $0xFF00000, v7;
	v42 =	vand.u32 $0xFFFFF, v61;
	v7 =	vand.u32 $0xFFFFF, v7  }
0x18a: {  	v45 =	vand.u32 $0x80000000, v45;
	v44 =	vshll.u32 v44, $0x1D;
	[tilespmem:v22+s17+$0x0] =	vst.idx.msk $0xffff, v59;
	v22 =	vshrl.u32 v24, $0x3  }
0x18b: {  	v54 =	vand.u32 $0xFF00000, v41;
	v6 =	vadd.s32 $0x38000000, v6;
	v61 =	vand.u32 $0xFF00000, v51  }
0x18c: {  	v19 =	vmovc v5;
	[tilespmem:v43+s17+$0x0] =	vst.idx.msk $0xffff, v60;
	v43 =	vor.u32 s25, v1;
	v59 =	vand.u32 $0xFFFFF, v22;
	v5 =	vand.u32 $0xFF00000, v22  }
0x18d: {  	v22 =	vand.u32 $0x80000000, v40;
	v39 =	vor.u32 v45, v61;
	v61 =	vand.u32 $0x80000000, v35  }
0x18e: {  	[tilespmem:v48+s17+$0x0] =	vst.idx.msk $0xffff, v6;
	v6 =	vor.u32 v22, v9;
	v9 =	vand.u32 $0xFFFFF, v49;
	v5 =	vor.u32 v50, v5  }
0x18f: {  	v22 =	vand.u32 $0xFF00000, v4;
	v4 =	vand.u32 $0xFFFFF, v4;
	v5 =	vor.u32 v59, v5;
	v59 =	vmovc v19;
	v19 =	vld [tilespmem:$0x1FE60]  }
0x190: {  	v10 =	vor.u32 v10, v22;
	v6 =	vor.u32 v7, v6;
	v7 =	vshll.u32 v31, $0x1D  }
0x191: {  	v62 =	vand.u32 $0x80000000, v38;
	v63 =	vshrl.u32 v38, $0x3;
	v4 =	vor.u32 v4, v10  }
0x192: {  	[tilespmem:$0x1FE90] =	vst v3;
	v38 =	vshll.u32 v38, $0x1D;
	v3 =	vand.u32 $0xFF00000, v63;
	v60 =	vand.u32 $0xFFFFF, v63  }
0x193: {  	[tilespmem:v47+s17+$0x0] =	vst.idx.msk $0xffff, v44;
	v4 =	vadd.s32 $0x38000000, v4;
	v3 =	vor.u32 v62, v3;
	v62 =	vor.u32 v57, v58  }
0x194: {  	[tilespmem:v36+s17+$0x0] =	vst.idx.msk $0xffff, v4;
	v4 =	vand.u32 $0xFFFFF, v41;
	v3 =	vor.u32 v60, v3;
	v60 =	vor.u32 v46, v54  }
0x195: {  	v8 =	vor.u32 v8, v62;
	v62 =	vor.u32 s26, v0;
	v4 =	vor.u32 v4, v60  }
0x196: {  	v11 =	vld.idx.msk [tilespmem:v18+s3+$0x0], $0xffff;
	v63 =	vor.u32 v56, v55;
	[tilespmem:v13+s17+$0x0] =	vst.idx.msk $0xffff, v38;
	v13 =	vand.u32 $0xFF00000, v33;
	v4 =	vadd.s32 $0x38000000, v4  }
0x197: {  	v10 =	vadd.s32 $0x38000000, v63;
	v3 =	vadd.s32 $0x38000000, v3;
	[tilespmem:v14+s17+$0x0] =	vst.idx.msk $0xffff, v4;
	v14 =	vor.u32 v32, v28;
	v63 =	vld.idx.msk [tilespmem:v19+s3+$0x0], $0xffff  }
0x198: {  	[tilespmem:v29+s17+$0x0] =	vst.idx.msk $0xffff, v3;
	v3 =	vor.u32 v61, v13;
	v13 =	vand.u32 $0xFF00000, v34;
	v19 =	vadd.s32 $0x38000000, v14;
	v14 =	vld [tilespmem:$0x1FE80]  }
0x199: {  	v55 =	vshll.u32 v53, $0x1D;
	v34 =	vand.u32 $0xFFFFF, v34;
	v13 =	vor.u32 v25, v13  }
0x19a: {  	v57 =	vand.u32 $0x80000000, v37;
	v13 =	vor.u32 v34, v13;
	[tilespmem:v62+s17+$0x0] =	vst.idx.msk $0xffff, v55;
	v62 =	vand.u32 $0xFF00000, v49  }
0x19b: {  	v4 =	vadd.s32 $0x38000000, v13;
	v13 =	vor.u32 v42, v30;
	v25 =	vor.u32 v57, v62  }
0x19c: {  	[tilespmem:v21+s17+$0x0] =	vst.idx.msk $0xffff, v7;
	v9 =	vor.u32 v9, v25;
	v25 =	vadd.s32 $0x38000000, v13;
	v13 =	vshrl.u32 v11, $0x3  }
0x19d: {  	[tilespmem:v43+s17+$0x0] =	vst.idx.msk $0xffff, v4;
	v4 =	vadd.s32 $0x38000000, v9;
	v9 =	vand.u32 $0x80000000, v11;
	v7 =	vand.u32 $0xFF00000, v13  }
0x19e: {  	v17 =	vor.u32 s6, v1;
	v7 =	vor.u32 v9, v7;
	v9 =	vld [tilespmem:$0x1FE70]  }
0x19f: {  	v20 =	vor.u32 s13, v0;
	v8 =	vadd.s32 $0x38000000, v8  }
0x1a0: {  	v26 =	vor.u32 s13, v1;
	[tilespmem:v14+s17+$0x0] =	vst.idx.msk $0xffff, v8;
	v14 =	vld [tilespmem:$0x1FEB0]  }
0x1a1: {  	v12 =	vor.u32 s0, v0;
	v40 =	vshll.u32 v40, $0x1D  }
0x1a2: {  	v18 =	vor.u32 s2, v1;
	v16 =	vor.u32 s8, v1;
	v23 =	vand.u32 $0xFFFFF, v51;
	[tilespmem:v52+s17+$0x0] =	vst.idx.msk $0xffff, v40  }
0x1a3: {  	v22 =	vor.u32 s26, v1;
	v5 =	vadd.s32 $0x38000000, v5;
	[tilespmem:v17+s17+$0x0] =	vst.idx.msk $0xffff, v4;
	v4 =	vshll.u32 v27, $0x1D  }
0x1a4: {  	p0 =	slt.u32 s23, $0x70;
	v6 =	vadd.s32 $0x38000000, v6;
	v33 =	vand.u32 $0xFFFFF, v33;
	v29 =	vor.u32 s24, v0;
	[tilespmem:v20+s17+$0x0] =	vst.idx.msk $0xffff, v4  }
.Ltmp2:
0x1a5: {  	v58 =	vld [tilespmem:$0x1FE50];
	v21 =	vor.u32 v33, v3;
	v27 =	vand.u32 $0xFFFFF, v13;
	v20 =	vshrl.u32 v63, $0x3;
	[tilespmem:v26+s17+$0x0] =	vst.idx.msk $0xffff, v10;
	(pc) =	sbr.rel @p0 .LBB2_6-.Ltmp2, $4  }
0x1a6: {  	v4 =	vshll.u32 v24, $0x1D;
	v17 =	vand.u32 $0xFF00000, v20;
	v10 =	vld [tilespmem:$0x1FE90];
	[tilespmem:v9+s17+$0x0] =	vst.idx.msk $0xffff, v6;
	v6 =	vand.u32 $0x80000000, v63  }
0x1a7: {  	v8 =	vand.u32 $0xFFFFF, v20;
	v6 =	vor.u32 v6, v17;
	v17 =	vor.u32 v27, v7;
	v7 =	vld [tilespmem:$0x1FEC0]  }
0x1a8: {  	v13 =	vshll.u32 v15, $0x1D;
	v3 =	vor.u32 v8, v6;
	v8 =	vld [tilespmem:$0x1FEA0];
	v6 =	vor.u32 v23, v39;
	[tilespmem:v14+s17+$0x0] =	vst.idx.msk $0xffff, v4  }
0x1a9: {  	s23 =	sadd.s32 $0x10, s23;
	v9 =	vmovc v18;
	v18 =	vshll.u32 v63, $0x1D;
	v15 =	vadd.s32 $0x38000000, v3;
	v14 =	vadd.s32 $0x38000000, v6;
	[tilespmem:v16+s17+$0x0] =	vst.idx.msk $0xffff, v5;
	v5 =	vld [tilespmem:$0x1FED0]  }
0x1aa: {  	_ =	sdelay $0x3  }
0x1ab: {  	[tilespmem:v29+s17+$0x0] =	vst.idx.msk $0xffff, v13  }
0x1ac: {  	[tilespmem:v58+s17+$0x0] =	vst.idx.msk $0xffff, v18  }
0x1ad: {  	[tilespmem:v22+s17+$0x0] =	vst.idx.msk $0xffff, v25  }
0x1ae: {  	[tilespmem:v59+s17+$0x0] =	vst.idx.msk $0xffff, v19  }
0x1af: {  	[tilespmem:v9+s17+$0x0] =	vst.idx.msk $0xffff, v15  }
0x1b0: {  	v3 =	vshll.u32 v35, $0x1D;
	[tilespmem:v7+s17+$0x0] =	vst.idx.msk $0xffff, v14  }
0x1b1: {  	[tilespmem:v5+s17+$0x0] =	vst.idx.msk $0xffff, v3;
	v3 =	vadd.s32 $0x38000000, v21  }
0x1b2: {  	[tilespmem:v8+s17+$0x0] =	vst.idx.msk $0xffff, v3;
	v3 =	vshll.u32 v11, $0x1D  }
0x1b3: {  	v4 =	vadd.s32 $0x38000000, v17;
	[tilespmem:v12+s17+$0x0] =	vst.idx.msk $0xffff, v3  }
0x1b4: {  	s0 =	simm.s32 $0x0;
	[tilespmem:v10+s17+$0x0] =	vst.idx.msk $0xffff, v4  }
0x1b5: {  	[hbm4b:s10+s0] =	stream.linear.scatter [tilespmem:s17], [sflag:$0x3], $0x4000, $0x38;
	[tilespmem:$0x10080] =	vst v63  }
0x1b6: {  	s4 =	simm.s32 $0x180;
	_ =	swait.ge [sflag:s18], $0x4000  }
0x1b7: {  	s30 =	simm.s32 $0x280;
	v4 =	vadd.s32 s4, v2;
	[sflag:s18] =	ssyncset.done $0x0  }
0x1b8: {  	s23 =	simm.s32 $0x200;
	v5 =	vadd.s32 s30, v2;
	[sflag:s18] =	ssyncadd.s32 $0xFFFFC000  }
0x1b9: {  	s5 =	simm.s32 $0x300;
	v7 =	vadd.s32 s23, v2;
	_ =	swait.ge [sflag:s21], $0x4000  }
0x1ba: {  	s8 =	simm.s32 $0x80;
	v8 =	vadd.s32 s5, v2;
	[sflag:s21] =	ssyncset.done $0x0  }
0x1bb: {  	s28 =	simm.s32 $0x580;
	v11 =	vadd.s32 s8, v2;
	[sflag:s21] =	ssyncadd.s32 $0xFFFFC000  }
0x1bc: {  	s31 =	simm.s32 $0x400;
	v12 =	vadd.s32 s28, v2;
	v35 =	vld.idx.msk [tilespmem:v4+s15+$0x0], $0xffff  }
0x1bd: {  	s26 =	simm.s32 $0x0;
	s24 =	simm.s32 $0x380;
	v16 =	vadd.s32 s31, v2;
	v24 =	vld.idx.msk [tilespmem:v5+s15+$0x0], $0xffff  }
0x1be: {  	s13 =	simm.s32 $0x700;
	v9 =	vadd.s32 s26, v2;
	v58 =	vor.u32 s26, v0;
	v20 =	vadd.s32 s24, v2;
	v13 =	vld.idx.msk [tilespmem:v7+s15+$0x0], $0xffff  }
0x1bf: {  	s6 =	simm.s32 $0x500;
	s1 =	simm.s32 $0x780;
	v23 =	vor.u32 s8, v0;
	v59 =	vor.u32 s23, v1;
	v28 =	vadd.s32 s13, v2;
	v30 =	vld.idx.msk [tilespmem:v8+s15+$0x0], $0xffff  }
0x1c0: {  	s2 =	simm.s32 $0x680;
	s7 =	simm.s32 $0x480;
	v25 =	vor.u32 s30, v0;
	v26 =	vadd.s32 s6, v2;
	v32 =	vadd.s32 s1, v2;
	v11 =	vld.idx.msk [tilespmem:v11+s15+$0x0], $0xffff  }
0x1c1: {  	v27 =	vadd.s32 s2, v2;
	v29 =	vadd.s32 s7, v2;
	v31 =	vor.u32 s5, v0;
	v12 =	vld.idx.msk [tilespmem:v12+s15+$0x0], $0xffff  }
0x1c2: {  	v33 =	vor.u32 s6, v0;
	v34 =	vor.u32 s7, v0;
	v17 =	vor.u32 s7, v1;
	v19 =	vld.idx.msk [tilespmem:v16+s15+$0x0], $0xffff  }
0x1c3: {  	s29 =	simm.s32 $0x600;
	v15 =	vor.u32 s2, v1;
	v18 =	vor.u32 s31, v0;
	v22 =	vor.u32 s13, v1;
	v36 =	vld.idx.msk [tilespmem:v20+s15+$0x0], $0xffff  }
0x1c4: {  	s25 =	simm.s32 $0x100;
	v37 =	vor.u32 s1, v1;
	v39 =	vor.u32 s6, v1;
	v14 =	vor.u32 s29, v0;
	v28 =	vld.idx.msk [tilespmem:v28+s15+$0x0], $0xffff  }
0x1c5: {  	v3 =	vadd.s32 s29, v2;
	v10 =	vadd.s32 s25, v2;
	v5 =	vor.u32 s4, v0;
	v32 =	vld.idx.msk [tilespmem:v32+s15+$0x0], $0xffff  }
0x1c6: {  	v7 =	vor.u32 s5, v1;
	v16 =	vor.u32 s28, v0;
	v8 =	vor.u32 s4, v1;
	v27 =	vld.idx.msk [tilespmem:v27+s15+$0x0], $0xffff  }
0x1c7: {  	v26 =	vld.idx.msk [tilespmem:v26+s15+$0x0], $0xffff;
	v21 =	vshrl.u32 v35, $0x3;
	v38 =	vshrl.u32 v24, $0x3;
	v40 =	vshrl.u32 v13, $0x3  }
0x1c8: {  	v41 =	vand.u32 $0x80000000, v13;
	v20 =	vshrl.u32 v30, $0x3;
	v43 =	vshrl.u32 v11, $0x3  }
0x1c9: {  	v44 =	vand.u32 $0x80000000, v12;
	v45 =	vshrl.u32 v12, $0x3;
	v46 =	vand.u32 $0x80000000, v19  }
0x1ca: {  	v47 =	vshrl.u32 v19, $0x3;
	v48 =	vand.u32 $0x80000000, v36;
	v50 =	vshrl.u32 v36, $0x3  }
0x1cb: {  	v62 =	vshrl.u32 v28, $0x3;
	v51 =	vand.u32 $0x80000000, v28;
	v53 =	vshrl.u32 v32, $0x3  }
0x1cc: {  	v54 =	vand.u32 $0x80000000, v27;
	v55 =	vshrl.u32 v26, $0x3;
	v57 =	vand.u32 $0x80000000, v26  }
0x1cd: {  	v28 =	vshll.u32 v28, $0x1D;
	v19 =	vshll.u32 v19, $0x1D;
	v12 =	vshll.u32 v12, $0x1D  }
0x1ce: {  	v13 =	vshll.u32 v13, $0x1D;
	v42 =	vand.u32 $0xFF00000, v40;
	v49 =	vand.u32 $0xFF00000, v45  }
0x1cf: {  	v52 =	vand.u32 $0xFF00000, v62;
	v56 =	vand.u32 $0xFF00000, v50;
	v63 =	vand.u32 $0xFF00000, v55  }
0x1d0: {  	v55 =	vand.u32 $0xFFFFF, v55;
	v61 =	vand.u32 $0xFFFFF, v47;
	v47 =	vand.u32 $0xFF00000, v47  }
0x1d1: {  	v62 =	vand.u32 $0xFFFFF, v62;
	v45 =	vand.u32 $0xFFFFF, v45;
	[tilespmem:v18+s19+$0x0] =	vst.idx.msk $0xffff, v19;
	v18 =	vor.u32 s29, v1  }
0x1d2: {  	[tilespmem:v16+s19+$0x0] =	vst.idx.msk $0xffff, v12;
	v12 =	vor.u32 s25, v0;
	v16 =	vand.u32 $0xFFFFF, v20;
	v41 =	vor.u32 v41, v42  }
0x1d3: {  	v4 =	vld.idx.msk [tilespmem:v3+s15+$0x0], $0xffff;
	v42 =	vshll.u32 v24, $0x1D;
	v44 =	vor.u32 v44, v49;
	v48 =	vor.u32 v48, v56  }
0x1d4: {  	v56 =	vor.u32 v57, v63;
	v57 =	vshrl.u32 v27, $0x3;
	v51 =	vor.u32 v51, v52  }
0x1d5: {  	v46 =	vor.u32 v46, v47;
	v63 =	vand.u32 $0x80000000, v30;
	v24 =	vand.u32 $0x80000000, v24  }
0x1d6: {  	v27 =	vshll.u32 v27, $0x1D;
	v52 =	vor.u32 v55, v56;
	v60 =	vand.u32 $0xFF00000, v57  }
0x1d7: {  	v55 =	vand.u32 $0x80000000, v32;
	v46 =	vor.u32 v61, v46;
	v61 =	vand.u32 $0xFF00000, v53  }
0x1d8: {  	v47 =	vor.u32 v62, v51;
	v51 =	vand.u32 $0x80000000, v11;
	v62 =	vshrl.u32 v4, $0x3  }
0x1d9: {  	v29 =	vld.idx.msk [tilespmem:v29+s15+$0x0], $0xffff;
	v53 =	vand.u32 $0xFFFFF, v53;
	v44 =	vor.u32 v45, v44;
	v11 =	vshll.u32 v11, $0x1D  }
0x1da: {  	v54 =	vor.u32 v54, v60;
	v60 =	vand.u32 $0xFF00000, v20;
	v55 =	vor.u32 v55, v61  }
0x1db: {  	v61 =	vand.u32 $0xFF00000, v43;
	v56 =	vand.u32 $0xFFFFF, v62;
	v43 =	vand.u32 $0xFFFFF, v43  }
0x1dc: {  	[tilespmem:v23+s19+$0x0] =	vst.idx.msk $0xffff, v11;
	v23 =	vor.u32 s2, v0;
	v11 =	vshll.u32 v30, $0x1D;
	v49 =	vor.u32 v63, v60  }
0x1dd: {  	v63 =	vand.u32 $0x80000000, v4;
	v53 =	vor.u32 v53, v55;
	v60 =	vand.u32 $0xFF00000, v62  }
0x1de: {  	v51 =	vor.u32 v51, v61;
	v62 =	vand.u32 $0x80000000, v35;
	v61 =	vshrl.u32 v29, $0x3  }
0x1df: {  	[tilespmem:v31+s19+$0x0] =	vst.idx.msk $0xffff, v11;
	v31 =	vor.u32 s1, v0;
	v11 =	vshll.u32 v26, $0x1D;
	v26 =	vadd.s32 $0x38000000, v52  }
0x1e0: {  	v45 =	vor.u32 v63, v60;
	v63 =	vand.u32 $0xFF00000, v21;
	v60 =	vand.u32 $0xFF00000, v38  }
0x1e1: {  	[tilespmem:v25+s19+$0x0] =	vst.idx.msk $0xffff, v42;
	v43 =	vor.u32 v43, v51;
	v38 =	vand.u32 $0xFFFFF, v38;
	v55 =	vor.u32 v62, v63  }
0x1e2: {  	[tilespmem:v33+s19+$0x0] =	vst.idx.msk $0xffff, v11;
	v11 =	vld.idx.msk [tilespmem:v10+s15+$0x0], $0xffff;
	v24 =	vor.u32 v24, v60;
	v62 =	vand.u32 $0x80000000, v29;
	v63 =	vand.u32 $0xFF00000, v61  }
0x1e3: {  	v60 =	vand.u32 $0xFFFFF, v61;
	[tilespmem:v39+s19+$0x0] =	vst.idx.msk $0xffff, v26;
	v26 =	vshll.u32 v29, $0x1D;
	v29 =	vor.u32 s24, v0;
	v61 =	vld.idx.msk [tilespmem:v9+s15+$0x0], $0xffff  }
0x1e4: {  	v10 =	vor.u32 s8, v1;
	v45 =	vor.u32 v56, v45;
	v56 =	vor.u32 s13, v0;
	[tilespmem:v34+s19+$0x0] =	vst.idx.msk $0xffff, v26  }
0x1e5: {  	v9 =	vand.u32 $0xFFFFF, v40;
	v25 =	vor.u32 v62, v63;
	[tilespmem:v23+s19+$0x0] =	vst.idx.msk $0xffff, v27;
	v27 =	vshll.u32 v32, $0x1D  }
0x1e6: {  	v62 =	vadd.s32 $0x38000000, v47;
	v23 =	vor.u32 s30, v1;
	[tilespmem:v31+s19+$0x0] =	vst.idx.msk $0xffff, v27;
	v27 =	vadd.s32 $0x38000000, v53  }
0x1e7: {  	v31 =	vshll.u32 v36, $0x1D;
	[tilespmem:v37+s19+$0x0] =	vst.idx.msk $0xffff, v27;
	v27 =	vand.u32 $0x80000000, v11;
	v63 =	vshrl.u32 v11, $0x3  }
0x1e8: {  	[tilespmem:v29+s19+$0x0] =	vst.idx.msk $0xffff, v31;
	v31 =	vor.u32 v9, v41;
	v9 =	vand.u32 $0xFF00000, v63;
	v29 =	vshrl.u32 v61, $0x3  }
0x1e9: {  	[tilespmem:v56+s19+$0x0] =	vst.idx.msk $0xffff, v28;
	v27 =	vor.u32 v27, v9;
	v9 =	vand.u32 $0x80000000, v61;
	v28 =	vand.u32 $0xFF00000, v29  }
0x1ea: {  	v24 =	vor.u32 v38, v24;
	[tilespmem:v22+s19+$0x0] =	vst.idx.msk $0xffff, v62;
	v22 =	vor.u32 v9, v28;
	v9 =	vadd.s32 $0x38000000, v43  }
0x1eb: {  	v25 =	vor.u32 v60, v25;
	[tilespmem:v10+s19+$0x0] =	vst.idx.msk $0xffff, v9;
	v10 =	vand.u32 $0xFFFFF, v21;
	v21 =	vadd.s32 $0x38000000, v24  }
0x1ec: {  	v26 =	vand.u32 $0xFFFFF, v57;
	v28 =	vor.u32 s31, v1;
	[tilespmem:v23+s19+$0x0] =	vst.idx.msk $0xffff, v21;
	v23 =	vadd.s32 $0x38000000, v25  }
0x1ed: {  	v30 =	vand.u32 $0xFFFFF, v50;
	v26 =	vor.u32 v26, v54;
	[tilespmem:v17+s19+$0x0] =	vst.idx.msk $0xffff, v23;
	v17 =	vor.u32 s28, v1  }
0x1ee: {  	v3 =	vor.u32 v30, v48;
	v16 =	vor.u32 v16, v49;
	v19 =	vadd.s32 $0x38000000, v26  }
0x1ef: {  	v20 =	vadd.s32 $0x38000000, v45;
	[tilespmem:v15+s19+$0x0] =	vst.idx.msk $0xffff, v19;
	v15 =	vadd.s32 $0x38000000, v46;
	v19 =	vand.u32 $0xFFFFF, v63  }
0x1f0: {  	v9 =	vor.u32 s26, v1;
	v23 =	vand.u32 $0xFFFFF, v29;
	v29 =	vor.u32 s23, v0  }
0x1f1: {  	v23 =	vor.u32 v23, v22;
	v22 =	vor.u32 s24, v1;
	[tilespmem:v28+s19+$0x0] =	vst.idx.msk $0xffff, v15;
	v15 =	vadd.s32 $0x38000000, v44  }
0x1f2: {  	v21 =	vor.u32 v10, v55;
	v10 =	vor.u32 s25, v1;
	[tilespmem:v17+s19+$0x0] =	vst.idx.msk $0xffff, v15;
	v15 =	vshll.u32 v4, $0x1D  }
0x1f3: {  	v25 =	vadd.s32 $0x38000000, v3;
	v17 =	vor.u32 v19, v27;
	v19 =	vadd.s32 $0x38000000, v31;
	[tilespmem:v14+s19+$0x0] =	vst.idx.msk $0xffff, v15  }
0x1f4: {  	s23 =	simm.s32 $0x10;
	v15 =	vadd.s32 $0x38000000, v23;
	v14 =	vadd.s32 $0x38000000, v16;
	[tilespmem:v18+s19+$0x0] =	vst.idx.msk $0xffff, v20;
	v18 =	vshll.u32 v61, $0x1D  }
.LBB2_8:
0x1f5: {  	s2 =	sshll.u32 s23, $0x7;
	[tilespmem:v29+s19+$0x0] =	vst.idx.msk $0xffff, v13  }
0x1f6: {  	[tilespmem:v22+s19+$0x0] =	vst.idx.msk $0xffff, v25;
	s25 =	sadd.s32 $0x280, s2  }
0x1f7: {  	v11 =	vshll.u32 v11, $0x1D;
	v16 =	vadd.s32 $0x38000000, v21;
	s24 =	sadd.s32 $0x200, s2;
	[tilespmem:v59+s19+$0x0] =	vst.idx.msk $0xffff, v19;
	v21 =	vadd.s32 s25, v2  }
0x1f8: {  	v3 =	vadd.s32 s2, v2;
	s1 =	sadd.s32 $0x80, s2;
	[tilespmem:v12+s19+$0x0] =	vst.idx.msk $0xffff, v11;
	v20 =	vadd.s32 s24, v2  }
0x1f9: {  	v6 =	vshll.u32 v35, $0x1D;
	s26 =	sadd.s32 $0x380, s2;
	s13 =	sadd.s32 $0x580, s2;
	[tilespmem:$0x1FDD0] =	vst v3;
	v3 =	vor.u32 s2, v0;
	v23 =	vadd.s32 s1, v2  }
0x1fa: {  	s5 =	sadd.s32 $0x400, s2;
	s29 =	sadd.s32 $0x680, s2;
	v32 =	vor.u32 s1, v0;
	v26 =	vadd.s32 s26, v2;
	v27 =	vadd.s32 s13, v2;
	[tilespmem:$0x1FDC0] =	vst v3  }
0x1fb: {  	s4 =	sadd.s32 $0x300, s2;
	s30 =	sadd.s32 $0x700, s2;
	v28 =	vadd.s32 s5, v2;
	v38 =	vor.u32 s25, v0;
	v40 =	vadd.s32 s29, v2;
	[tilespmem:v58+s19+$0x0] =	vst.idx.msk $0xffff, v18  }
0x1fc: {  	s7 =	sadd.s32 $0x500, s2;
	s31 =	sadd.s32 $0x780, s2;
	v41 =	vadd.s32 s30, v2;
	v22 =	vor.u32 s4, v0;
	[tilespmem:v5+s19+$0x0] =	vst.idx.msk $0xffff, v6;
	v25 =	vld.idx.msk [tilespmem:v21+s15+$0x0], $0xffff  }
0x1fd: {  	s28 =	sadd.s32 $0x180, s2;
	s6 =	sadd.s32 $0x480, s2;
	v39 =	vadd.s32 s7, v2;
	v42 =	vor.u32 s7, v0;
	v44 =	vadd.s32 s31, v2;
	[tilespmem:v9+s19+$0x0] =	vst.idx.msk $0xffff, v15;
	v15 =	vld.idx.msk [tilespmem:v20+s15+$0x0], $0xffff  }
0x1fe: {  	v17 =	vadd.s32 $0x38000000, v17;
	s8 =	sadd.s32 $0x600, s2;
	v43 =	vor.u32 s6, v0;
	v3 =	vor.u32 s28, v0;
	[tilespmem:v7+s19+$0x0] =	vst.idx.msk $0xffff, v14;
	v46 =	vld.idx.msk [tilespmem:v23+s15+$0x0], $0xffff  }
0x1ff: {  	v12 =	vadd.s32 s8, v2;
	v29 =	vor.u32 s30, v1;
	v13 =	vor.u32 s30, v0;
	[tilespmem:$0x1FE40] =	vst v3;
	v27 =	vld.idx.msk [tilespmem:v27+s15+$0x0], $0xffff  }
0x200: {  	v36 =	vor.u32 s31, v1;
	v47 =	vor.u32 s31, v0;
	v3 =	vor.u32 s8, v0;
	[tilespmem:v8+s19+$0x0] =	vst.idx.msk $0xffff, v16;
	v31 =	vld.idx.msk [tilespmem:v28+s15+$0x0], $0xffff  }
0x201: {  	s0 =	sadd.s32 $0x100, s2;
	v48 =	vor.u32 s7, v1;
	v52 =	vor.u32 s29, v0;
	[tilespmem:$0x1FE20] =	vst v3;
	v3 =	vor.u32 s4, v1;
	v53 =	vld.idx.msk [tilespmem:v26+s15+$0x0], $0xffff  }
0x202: {  	v18 =	vadd.s32 s0, v2;
	v6 =	vadd.s32 s28, v2;
	[tilespmem:$0x1FE30] =	vst v3;
	v3 =	vor.u32 s29, v1;
	v44 =	vld.idx.msk [tilespmem:v44+s15+$0x0], $0xffff  }
0x203: {  	v5 =	vor.u32 s24, v1;
	v14 =	vor.u32 s1, v1;
	[tilespmem:$0x1FDE0] =	vst v3;
	v3 =	vor.u32 s28, v1;
	v40 =	vld.idx.msk [tilespmem:v40+s15+$0x0], $0xffff  }
0x204: {  	v8 =	vadd.s32 s4, v2;
	v16 =	vadd.s32 s6, v2;
	v39 =	vld.idx.msk [tilespmem:v39+s15+$0x0], $0xffff;
	[tilespmem:$0x1FE10] =	vst v3;
	v3 =	vor.u32 s5, v1  }
0x205: {  	v21 =	vor.u32 s5, v0;
	[tilespmem:$0x1FDF0] =	vst v3;
	v3 =	vor.u32 s0, v1;
	v34 =	vshrl.u32 v25, $0x3  }
0x206: {  	v23 =	vand.u32 $0x80000000, v15;
	v49 =	vshrl.u32 v15, $0x3;
	v54 =	vshll.u32 v46, $0x1D  }
0x207: {  	v55 =	vand.u32 $0x80000000, v27;
	v56 =	vshrl.u32 v27, $0x3;
	v57 =	vand.u32 $0x80000000, v31  }
0x208: {  	v35 =	vld.idx.msk [tilespmem:v6+s15+$0x0], $0xffff;
	v58 =	vshrl.u32 v31, $0x3;
	v60 =	vand.u32 $0x80000000, v53;
	v61 =	vshrl.u32 v53, $0x3  }
0x209: {  	[tilespmem:v10+s19+$0x0] =	vst.idx.msk $0xffff, v17;
	v24 =	vld.idx.msk [tilespmem:v12+s15+$0x0], $0xffff;
	v4 =	vshrl.u32 v44, $0x3;
	v7 =	vshrl.u32 v40, $0x3;
	v9 =	vand.u32 $0x80000000, v39  }
0x20a: {  	v10 =	vshrl.u32 v39, $0x3;
	v50 =	vand.u32 $0xFF00000, v49;
	[tilespmem:v32+s19+$0x0] =	vst.idx.msk $0xffff, v54;
	v32 =	vand.u32 $0xFFFFF, v49  }
0x20b: {  	v45 =	vld.idx.msk [tilespmem:v8+s15+$0x0], $0xffff;
	v62 =	vand.u32 $0xFF00000, v56;
	v56 =	vand.u32 $0xFFFFF, v56;
	v8 =	vand.u32 $0xFFFFF, v58  }
0x20c: {  	v37 =	vld.idx.msk [tilespmem:v16+s15+$0x0], $0xffff;
	v30 =	vand.u32 $0xFF00000, v61;
	v6 =	vand.u32 $0xFF00000, v10;
	v10 =	vand.u32 $0xFFFFF, v10  }
0x20d: {  	v58 =	vand.u32 $0xFF00000, v58;
	v33 =	vshrl.u32 v35, $0x3;
	v28 =	vor.u32 v23, v50  }
0x20e: {  	v23 =	vshll.u32 v25, $0x1D;
	v50 =	vand.u32 $0x80000000, v24;
	v55 =	vor.u32 v55, v62  }
0x20f: {  	v30 =	vor.u32 v60, v30;
	v6 =	vor.u32 v9, v6;
	v9 =	vshll.u32 v39, $0x1D  }
0x210: {  	v25 =	vand.u32 $0x80000000, v25;
	v51 =	vshrl.u32 v45, $0x3;
	v59 =	vshll.u32 v45, $0x1D  }
0x211: {  	[tilespmem:v38+s19+$0x0] =	vst.idx.msk $0xffff, v23;
	v38 =	vld.idx.msk [tilespmem:v41+s15+$0x0], $0xffff;
	v41 =	vshrl.u32 v46, $0x3;
	v49 =	vshrl.u32 v37, $0x3;
	v46 =	vand.u32 $0x80000000, v46  }
0x212: {  	v6 =	vor.u32 v10, v6;
	v10 =	vand.u32 $0x80000000, v44;
	v60 =	vshll.u32 v37, $0x1D  }
0x213: {  	[tilespmem:v42+s19+$0x0] =	vst.idx.msk $0xffff, v9;
	v9 =	vand.u32 $0xFF00000, v7;
	v42 =	vand.u32 $0xFFFFF, v61;
	v7 =	vand.u32 $0xFFFFF, v7  }
0x214: {  	v45 =	vand.u32 $0x80000000, v45;
	v44 =	vshll.u32 v44, $0x1D;
	[tilespmem:v22+s19+$0x0] =	vst.idx.msk $0xffff, v59;
	v22 =	vshrl.u32 v24, $0x3  }
0x215: {  	v54 =	vand.u32 $0xFF00000, v41;
	v6 =	vadd.s32 $0x38000000, v6;
	v61 =	vand.u32 $0xFF00000, v51  }
0x216: {  	v19 =	vmovc v5;
	[tilespmem:v43+s19+$0x0] =	vst.idx.msk $0xffff, v60;
	v43 =	vor.u32 s25, v1;
	v59 =	vand.u32 $0xFFFFF, v22;
	v5 =	vand.u32 $0xFF00000, v22  }
0x217: {  	v22 =	vand.u32 $0x80000000, v40;
	v39 =	vor.u32 v45, v61;
	v61 =	vand.u32 $0x80000000, v35  }
0x218: {  	[tilespmem:v48+s19+$0x0] =	vst.idx.msk $0xffff, v6;
	v6 =	vor.u32 v22, v9;
	v9 =	vand.u32 $0xFFFFF, v49;
	v5 =	vor.u32 v50, v5  }
0x219: {  	v22 =	vand.u32 $0xFF00000, v4;
	v4 =	vand.u32 $0xFFFFF, v4;
	v5 =	vor.u32 v59, v5;
	v59 =	vmovc v19;
	v19 =	vld [tilespmem:$0x1FDD0]  }
0x21a: {  	v10 =	vor.u32 v10, v22;
	v6 =	vor.u32 v7, v6;
	v7 =	vshll.u32 v31, $0x1D  }
0x21b: {  	v62 =	vand.u32 $0x80000000, v38;
	v63 =	vshrl.u32 v38, $0x3;
	v4 =	vor.u32 v4, v10  }
0x21c: {  	[tilespmem:$0x1FE00] =	vst v3;
	v38 =	vshll.u32 v38, $0x1D;
	v3 =	vand.u32 $0xFF00000, v63;
	v60 =	vand.u32 $0xFFFFF, v63  }
0x21d: {  	[tilespmem:v47+s19+$0x0] =	vst.idx.msk $0xffff, v44;
	v4 =	vadd.s32 $0x38000000, v4;
	v3 =	vor.u32 v62, v3;
	v62 =	vor.u32 v57, v58  }
0x21e: {  	[tilespmem:v36+s19+$0x0] =	vst.idx.msk $0xffff, v4;
	v4 =	vand.u32 $0xFFFFF, v41;
	v3 =	vor.u32 v60, v3;
	v60 =	vor.u32 v46, v54  }
0x21f: {  	v8 =	vor.u32 v8, v62;
	v62 =	vor.u32 s26, v0;
	v4 =	vor.u32 v4, v60  }
0x220: {  	v11 =	vld.idx.msk [tilespmem:v18+s15+$0x0], $0xffff;
	v63 =	vor.u32 v56, v55;
	[tilespmem:v13+s19+$0x0] =	vst.idx.msk $0xffff, v38;
	v13 =	vand.u32 $0xFF00000, v33;
	v4 =	vadd.s32 $0x38000000, v4  }
0x221: {  	v10 =	vadd.s32 $0x38000000, v63;
	v3 =	vadd.s32 $0x38000000, v3;
	[tilespmem:v14+s19+$0x0] =	vst.idx.msk $0xffff, v4;
	v14 =	vor.u32 v32, v28;
	v63 =	vld.idx.msk [tilespmem:v19+s15+$0x0], $0xffff  }
0x222: {  	[tilespmem:v29+s19+$0x0] =	vst.idx.msk $0xffff, v3;
	v3 =	vor.u32 v61, v13;
	v13 =	vand.u32 $0xFF00000, v34;
	v19 =	vadd.s32 $0x38000000, v14;
	v14 =	vld [tilespmem:$0x1FDF0]  }
0x223: {  	v55 =	vshll.u32 v53, $0x1D;
	v34 =	vand.u32 $0xFFFFF, v34;
	v13 =	vor.u32 v25, v13  }
0x224: {  	v57 =	vand.u32 $0x80000000, v37;
	v13 =	vor.u32 v34, v13;
	[tilespmem:v62+s19+$0x0] =	vst.idx.msk $0xffff, v55;
	v62 =	vand.u32 $0xFF00000, v49  }
0x225: {  	v4 =	vadd.s32 $0x38000000, v13;
	v13 =	vor.u32 v42, v30;
	v25 =	vor.u32 v57, v62  }
0x226: {  	[tilespmem:v21+s19+$0x0] =	vst.idx.msk $0xffff, v7;
	v9 =	vor.u32 v9, v25;
	v25 =	vadd.s32 $0x38000000, v13;
	v13 =	vshrl.u32 v11, $0x3  }
0x227: {  	[tilespmem:v43+s19+$0x0] =	vst.idx.msk $0xffff, v4;
	v4 =	vadd.s32 $0x38000000, v9;
	v9 =	vand.u32 $0x80000000, v11;
	v7 =	vand.u32 $0xFF00000, v13  }
0x228: {  	v17 =	vor.u32 s6, v1;
	v7 =	vor.u32 v9, v7;
	v9 =	vld [tilespmem:$0x1FDE0]  }
0x229: {  	v20 =	vor.u32 s13, v0;
	v8 =	vadd.s32 $0x38000000, v8  }
0x22a: {  	v26 =	vor.u32 s13, v1;
	[tilespmem:v14+s19+$0x0] =	vst.idx.msk $0xffff, v8;
	v14 =	vld [tilespmem:$0x1FE20]  }
0x22b: {  	v12 =	vor.u32 s0, v0;
	v40 =	vshll.u32 v40, $0x1D  }
0x22c: {  	v18 =	vor.u32 s2, v1;
	v16 =	vor.u32 s8, v1;
	v23 =	vand.u32 $0xFFFFF, v51;
	[tilespmem:v52+s19+$0x0] =	vst.idx.msk $0xffff, v40  }
0x22d: {  	v22 =	vor.u32 s26, v1;
	v5 =	vadd.s32 $0x38000000, v5;
	[tilespmem:v17+s19+$0x0] =	vst.idx.msk $0xffff, v4;
	v4 =	vshll.u32 v27, $0x1D  }
0x22e: {  	p0 =	slt.u32 s23, $0x70;
	v6 =	vadd.s32 $0x38000000, v6;
	v33 =	vand.u32 $0xFFFFF, v33;
	v29 =	vor.u32 s24, v0;
	[tilespmem:v20+s19+$0x0] =	vst.idx.msk $0xffff, v4  }
.Ltmp3:
0x22f: {  	v58 =	vld [tilespmem:$0x1FDC0];
	v21 =	vor.u32 v33, v3;
	v27 =	vand.u32 $0xFFFFF, v13;
	v20 =	vshrl.u32 v63, $0x3;
	[tilespmem:v26+s19+$0x0] =	vst.idx.msk $0xffff, v10;
	(pc) =	sbr.rel @p0 .LBB2_8-.Ltmp3, $4  }
0x230: {  	v4 =	vshll.u32 v24, $0x1D;
	v17 =	vand.u32 $0xFF00000, v20;
	v10 =	vld [tilespmem:$0x1FE00];
	[tilespmem:v9+s19+$0x0] =	vst.idx.msk $0xffff, v6;
	v6 =	vand.u32 $0x80000000, v63  }
0x231: {  	v8 =	vand.u32 $0xFFFFF, v20;
	v6 =	vor.u32 v6, v17;
	v17 =	vor.u32 v27, v7;
	v7 =	vld [tilespmem:$0x1FE30]  }
0x232: {  	v13 =	vshll.u32 v15, $0x1D;
	v3 =	vor.u32 v8, v6;
	v8 =	vld [tilespmem:$0x1FE10];
	v6 =	vor.u32 v23, v39;
	[tilespmem:v14+s19+$0x0] =	vst.idx.msk $0xffff, v4  }
0x233: {  	s23 =	sadd.s32 $0x10, s23;
	v9 =	vmovc v18;
	v18 =	vshll.u32 v63, $0x1D;
	v15 =	vadd.s32 $0x38000000, v3;
	v14 =	vadd.s32 $0x38000000, v6;
	[tilespmem:v16+s19+$0x0] =	vst.idx.msk $0xffff, v5;
	v5 =	vld [tilespmem:$0x1FE40]  }
0x234: {  	_ =	sdelay $0x3  }
0x235: {  	[tilespmem:v29+s19+$0x0] =	vst.idx.msk $0xffff, v13  }
0x236: {  	[tilespmem:v58+s19+$0x0] =	vst.idx.msk $0xffff, v18  }
0x237: {  	[tilespmem:v22+s19+$0x0] =	vst.idx.msk $0xffff, v25  }
0x238: {  	[tilespmem:v59+s19+$0x0] =	vst.idx.msk $0xffff, v19  }
0x239: {  	[tilespmem:v9+s19+$0x0] =	vst.idx.msk $0xffff, v15  }
0x23a: {  	v2 =	vshll.u32 v35, $0x1D;
	[tilespmem:v7+s19+$0x0] =	vst.idx.msk $0xffff, v14  }
0x23b: {  	[tilespmem:v5+s19+$0x0] =	vst.idx.msk $0xffff, v2;
	v2 =	vadd.s32 $0x38000000, v21  }
0x23c: {  	[tilespmem:v8+s19+$0x0] =	vst.idx.msk $0xffff, v2;
	v2 =	vshll.u32 v11, $0x1D  }
0x23d: {  	v3 =	vadd.s32 $0x38000000, v17;
	[tilespmem:v12+s19+$0x0] =	vst.idx.msk $0xffff, v2  }
0x23e: {  	s22 =	sadd.s32 $0x1, s22;
	[tilespmem:v10+s19+$0x0] =	vst.idx.msk $0xffff, v3  }
0x23f: {  	[hbm4b:s11+s3] =	stream.linear.scatter [tilespmem:s19], [sflag:$0x4], $0x4000, $0x38;
	[tilespmem:$0x10080] =	vst v63  }
0x240: {  	p0 =	sne.s32 s22, s12;
	_ =	swait.ge [sflag:s20], $0x4000  }
.Ltmp4:
0x241: {  	[sflag:s20] =	ssyncset.done $0x0;
	(pc) =	sbr.rel @p0 .LBB2_1-.Ltmp4, $4  }
0x242: {  	[sflag:s20] =	ssyncadd.s32 $0xFFFFC000  }
0x243: {  	_ =	swait.ge [sflag:s21], $0x4000  }
0x244: {  	[sflag:s21] =	ssyncset.done $0x0  }
0x245: {  	[sflag:s21] =	ssyncadd.s32 $0xFFFFC000  }
0x246: {  	_ =	sfence.sel $0x180000  }
0x247: {  	[bflag:$0x0] =	sbarrier.arrive $0xFFFF  }
0x248: {  	_ =	strace $0x90000047  }
0x249: {  	s0 =	stileid.u32;
	[bflag:$0x2] =	sbarrier.arrive $0xFFFF  }
0x24a: {  	p0 =	sne.s32 s0, $0x0;
	s0 =	rddreg [dreg:$0x2]  }
0x24b: {  	s0 =	sadd.s32 @!p0 $0x100000, s0  }
0x24c: {  	[sflag:s0] =	ssyncadd.tile.s32 @!p0 $0x1;
	_ =	shalt  }
.Lfunc_end2:
_tile_overlayer_lowered:
.L_overlay_start_2:
0x24d: {  	(tag) =	ssettag $0x2  }
0x24e: {  	s0 =	rddreg [dreg:$0x0];
	s2 =	stileid.u32  }
0x24f: {  	s1 =	rddreg [dreg:$0x1];
	p0 =	sne.s32 s2, $0x0  }
0x250: {  	s3 =	rddreg [dreg:$0x2];
	[bflag:$0x3] =	sbarrier.arrive $0xFFFF;
	s2 =	simm.s32 @!p0 $0x1C05  }
0x251: {  	[timem:s3], [sflag:s2] =	dma.local @!p0 [hbm:s0], s1  }
0x252: {  	s0 =	simm.s32 @!p0 $0x5  }
0x253: {  	_ =	swait.ge @!p0 [sflag:s0], s1  }
0x254: {  	s1 =	ssub.s32 @!p0 $0x0, s1;
	[sflag:s0] =	ssyncset.done @!p0 $0x0  }
0x255: {  	[sflag:s0] =	ssyncadd.s32 @!p0 s1  }
0x256: {  	[bflag:$0x3] =	sbarrier.arrive $0xFFFF  }
0x257: {  	_ =	shalt  }

</sc_bundles>
